<compile_context>
chip_gen: v7x
topology: tpu7x:2x2x1
jax: 0.10.2.dev20260603
libtpu: 0.0.44.dev20260713+nightly
codegen_flags: <defaults>
</compile_context>

<pallas_src>
import functools

import jax
import jax.numpy as jnp
from jax import lax
from jax.experimental import pallas as pl
from jax.experimental.pallas import tpu as pltpu
from jax.experimental.pallas import tpu_sc as plsc


S, D, E, K = 2048, 768, 8, 2
N = S * K
BLK = 256
NPAD = N + E * BLK
NB = NPAD // BLK
CB = 512


def _gate_kernel(x_ref, wgt_ref, bg_ref, meta_ref):
    xb = x_ref[...]
    logits = jnp.dot(xb, wgt_ref[...], preferred_element_type=jnp.float32)
    logits = logits + bg_ref[...]

    iota = lax.broadcasted_iota(jnp.int32, (S, E), 1)
    i1 = jnp.argmax(logits, axis=-1)[:, None]
    one1 = iota == i1
    v1 = jnp.max(logits, axis=-1, keepdims=True)
    masked = jnp.where(one1, -jnp.inf, logits)
    i2 = jnp.argmax(masked, axis=-1)[:, None]
    v2 = jnp.max(masked, axis=-1, keepdims=True)

    t = jnp.exp(v2 - v1)
    denom = 1.0 + t
    p1 = 1.0 / denom
    p2 = t / denom

    i1f = i1.astype(jnp.float32)
    i2f = i2.astype(jnp.float32)
    meta = jnp.where(iota == 0, i1f,
           jnp.where(iota == 1, i2f,
           jnp.where(iota == 2, p1,
           jnp.where(iota == 3, p2, 0.0))))
    meta_ref[...] = meta


def _gate(x2, WgT, bg2):
    return pl.pallas_call(
        _gate_kernel,
        grid=(1,),
        in_specs=[
            pl.BlockSpec((S, D), lambda i: (0, 0)),
            pl.BlockSpec((D, E), lambda i: (0, 0)),
            pl.BlockSpec((1, E), lambda i: (0, 0)),
        ],
        out_specs=pl.BlockSpec((S, E), lambda i: (0, 0)),
        out_shape=jax.ShapeDtypeStruct((S, E), jnp.float32),
    )(x2, WgT, bg2)


def _route(meta):
    i1 = meta[:, 0].astype(jnp.int32)
    i2 = meta[:, 1].astype(jnp.int32)
    eid = jnp.concatenate([i1, i2])
    oh = (eid[:, None] == jnp.arange(E)[None, :]).astype(jnp.int32)
    ranks_inc = jnp.cumsum(oh, axis=0)
    rank = jnp.take_along_axis(ranks_inc, eid[:, None], axis=1)[:, 0] - 1
    counts = ranks_inc[-1]
    padded = ((counts + BLK - 1) // BLK) * BLK
    seg_end = jnp.cumsum(padded)
    seg_start = seg_end - padded
    dst = seg_start[eid] + rank
    g_tok = jnp.zeros((NPAD,), jnp.int32).at[dst].set(
        jnp.arange(N, dtype=jnp.int32) % S)
    block_first = jnp.arange(NB, dtype=jnp.int32) * BLK
    blk_eid = jnp.sum((block_first[:, None] >= seg_end[None, :]).astype(jnp.int32),
                      axis=1)
    blk_eid = jnp.minimum(blk_eid, E - 1).astype(jnp.int32)
    return dst.astype(jnp.int32), g_tok, blk_eid


def _sc_gather(table, idx, n_rows):
    info = plsc.get_sparse_core_info()
    nw = info.num_cores * info.num_subcores
    b_per_w = n_rows // nw
    mesh = plsc.VectorSubcoreMesh(core_axis_name="c", subcore_axis_name="s")

    CH = 64

    @functools.partial(
        pl.kernel, mesh=mesh,
        out_type=jax.ShapeDtypeStruct((n_rows, D), jnp.float32),
        scratch_types=[
            pltpu.VMEM((b_per_w,), jnp.int32),
            pltpu.VMEM((CH, D), jnp.float32),
            pltpu.SemaphoreType.DMA,
        ],
    )
    def k(table_hbm, idx_hbm, out_hbm, idx_v, rows_v, sem):
        wid = lax.axis_index("s") * info.num_cores + lax.axis_index("c")
        base = wid * b_per_w
        pltpu.sync_copy(idx_hbm.at[pl.ds(base, b_per_w)], idx_v)

        @pl.loop(0, b_per_w, step=CH)
        def _(c):
            pltpu.async_copy(table_hbm.at[idx_v.at[pl.ds(c, CH)]], rows_v, sem).wait()
            pltpu.sync_copy(rows_v, out_hbm.at[pl.ds(base + c, CH)])

    return k(table, idx)


def _gmm_kernel(eid_ref, xg_ref, wt_ref, b_ref, y_ref):
    xg = xg_ref[...].astype(jnp.bfloat16)
    y = jnp.dot(xg, wt_ref[0], preferred_element_type=jnp.float32)
    y_ref[...] = y + b_ref[0]


def _gmm(blk_eid, xg, Wt, b):
    grid_spec = pltpu.PrefetchScalarGridSpec(
        num_scalar_prefetch=1,
        grid=(NB,),
        in_specs=[
            pl.BlockSpec((BLK, D), lambda m, eid: (m, 0)),
            pl.BlockSpec((1, D, D), lambda m, eid: (eid[m], 0, 0)),
            pl.BlockSpec((1, 1, D), lambda m, eid: (eid[m], 0, 0)),
        ],
        out_specs=pl.BlockSpec((BLK, D), lambda m, eid: (m, 0)),
    )
    return pl.pallas_call(
        _gmm_kernel,
        grid_spec=grid_spec,
        out_shape=jax.ShapeDtypeStruct((NPAD, D), jnp.float32),
    )(blk_eid, xg, Wt, b.reshape(E, 1, D))


def _combine_kernel(y1_ref, y2_ref, meta_ref, o_ref):
    p1 = meta_ref[:, 2:3]
    p2 = meta_ref[:, 3:4]
    o_ref[...] = p1 * y1_ref[...] + p2 * y2_ref[...]


def _combine(ycomb, meta):
    return pl.pallas_call(
        _combine_kernel,
        grid=(S // CB,),
        in_specs=[
            pl.BlockSpec((CB, D), lambda i: (i, 0)),
            pl.BlockSpec((CB, D), lambda i: (i + S // CB, 0)),
            pl.BlockSpec((CB, E), lambda i: (i, 0)),
        ],
        out_specs=pl.BlockSpec((CB, D), lambda i: (i, 0)),
        out_shape=jax.ShapeDtypeStruct((S, D), jnp.float32),
    )(ycomb, ycomb, meta)


@jax.jit
def kernel(x, Wg, bg, W, b):
    x2 = x.reshape(S, D)
    WgT = Wg.T
    bg2 = bg.reshape(1, E)
    Wt = W.transpose(0, 2, 1).astype(jnp.bfloat16)

    meta = _gate(x2, WgT, bg2)
    dst, g_tok, blk_eid = _route(meta)
    xg = _sc_gather(x2, g_tok, NPAD)
    y = _gmm(blk_eid, xg, Wt, b)
    ycomb = _sc_gather(y, dst, N)
    out = _combine(ycomb, meta)
    return out.reshape(1, S, D)

# --- scband reference (transcript-rebuilt; emitter-appended) ---
"""Pipeline reference for scband-moe-78984448573477 (READ-ONLY COPY).

The authoritative reference and input builder live on the scoring server;
editing this copy changes nothing except your own understanding.
"""

import jax, jax.numpy as jnp
import numpy as np

B, S, D = 1, 2048, 768
E, K = 8, 2

def setup_inputs(seed: int = 0) -> dict:
    key = jax.random.key(seed)
    k0, k1, k2 = jax.random.split(key, 3)
    x = jax.random.normal(k0, (B, S, D), dtype=jnp.float32)
    # gate: Linear(D, E) -> weight (E, D), bias (E,)
    Wg = jax.random.normal(k1, (E, D), dtype=jnp.float32) * 0.02
    bg = jnp.zeros((E,), dtype=jnp.float32)
    # experts: each a Linear(D, D) -> weight (E, D, D) stored as (out, in), bias (E, D)
    W = jax.random.normal(k2, (E, D, D), dtype=jnp.float32) * 0.02
    b = jnp.zeros((E, D), dtype=jnp.float32)
    return {"x": x, "Wg": Wg, "bg": bg, "W": W, "b": b}

def reference(x, Wg, bg, W, b):
    Bd, Sd, Dd = x.shape
    Ed = Wg.shape[0]
    # gate logits over all experts: all_expert_prob_logits = gate(x)
    logits = jnp.einsum('bsd,ed->bse', x, Wg) + bg[None, None, :]
    # per-token top-k over experts, softmax over the selected logits
    topv, topi = jax.lax.top_k(logits, K)            # (B, S, K)
    probs = jax.nn.softmax(topv, axis=-1)            # (B, S, K)
    # dense combine-weights matrix (B, S, E), zero for non-selected experts
    gates = jnp.zeros((Bd, Sd, Ed), dtype=x.dtype)
    b_idx = jnp.arange(Bd)[:, None, None]
    s_idx = jnp.arange(Sd)[None, :, None]
    gates = gates.at[b_idx, s_idx, topi].set(probs)
    # every expert applied to every token (faithful weighted-sum semantics):
    # expert_out[b,s,e,:] = x[b,s,:] @ W[e].T + b[e]
    expert_out = jnp.einsum('bsd,efd->bsef', x, W) + b[None, None, :, :]
    # output[b,s,:] = sum_e gates[b,s,e] * expert_out[b,s,e,:]
    out = jnp.einsum('bsef,bse->bsf', expert_out, gates)
    return out

if __name__ == "__main__":
    import jax
    _d = setup_inputs()
    print(jax.jit(kernel)(*tuple(_d.values())))

</pallas_src>

<mosaic_0001>
#map = affine_map<(d0, d1) -> (0, 0)>
#map1 = affine_map<(d0, d1) -> (0)>
module attributes {stable_mosaic.version = 14 : i64} {
  func.func @k(%arg0: i32, %arg1: i32, %arg2: memref<6144x768xf32, #tpu.memory_space<hbm>>, %arg3: memref<4096xi32, #tpu.memory_space<hbm>>, %arg4: memref<4096x768xf32, #tpu.memory_space<hbm>>, %arg5: memref<128xi32, #tpu.memory_space<vmem>>, %arg6: memref<64x768xf32, #tpu.memory_space<vmem>>, %arg7: memref<!tpu.dma_semaphore, #tpu.memory_space<semaphore_mem>>) attributes {dimension_semantics = [#tpu.dimension_semantics<core_parallel>, #tpu.dimension_semantics<subcore_parallel>], iteration_bounds = array<i64: 2, 16>, scalar_prefetch = 0 : i64, scratch_operands = 3 : i64, tpu.core_type = #tpu.core_type<sc_vector_subcore>, window_params = [{transform_indices = #map}, {transform_indices = #map1}, {transform_indices = #map}]} {
    %mul3A = arith.constant 2 : i32
    %mul3A_0 = arith.muli %arg1, %mul3A : i32
    %add3A = arith.addi %mul3A_0, %arg0 : i32
    %mul3A_1 = arith.constant 128 : i32
    %mul3A_2 = arith.muli %add3A, %mul3A_1 : i32
    "tpu.region"() ({
      %run_scoped3A = tpu.sem_alloc : memref<!tpu.dma_semaphore, #tpu.memory_space<semaphore_mem>>
      %dma_start3A = tpu.memref_slice %arg3[%mul3A_2] : memref<4096xi32, #tpu.memory_space<hbm>> -> memref<128xi32, #tpu.memory_space<hbm>>
      %dma_start3A_7 = tpu.memref_slice %arg3[%mul3A_2] : memref<4096xi32, #tpu.memory_space<hbm>> -> memref<128xi32, #tpu.memory_space<hbm>>
      tpu.enqueue_dma source(%dma_start3A_7 : memref<128xi32, #tpu.memory_space<hbm>>) target(%arg5 : memref<128xi32, #tpu.memory_space<vmem>>) target_semaphore(%run_scoped3A : memref<!tpu.dma_semaphore, #tpu.memory_space<semaphore_mem>>)
      %dma_wait3A = tpu.memref_slice %arg3[%mul3A_2] : memref<4096xi32, #tpu.memory_space<hbm>> -> memref<128xi32, #tpu.memory_space<hbm>>
      %dma_wait3A_8 = tpu.memref_slice %arg3[%mul3A_2] : memref<4096xi32, #tpu.memory_space<hbm>> -> memref<128xi32, #tpu.memory_space<hbm>>
      tpu.wait_dma2 semaphore(%run_scoped3A : memref<!tpu.dma_semaphore, #tpu.memory_space<semaphore_mem>>) src(%dma_wait3A_8 : memref<128xi32, #tpu.memory_space<hbm>>) dst(%arg5 : memref<128xi32, #tpu.memory_space<vmem>>)
      tpu.yield
    }) : () -> ()
    %scan3A = arith.constant 0 : i32
    %scan3A_3 = arith.constant 2 : i32
    %scan3A_4 = arith.addi %scan3A, %scan3A_3 : i32
    %scan3A_5 = arith.constant 1 : i32
    scf.for %scan3A_7 = %scan3A to %scan3A_4 step %scan3A_5  : i32 {
      %mul3A_8 = arith.constant 64 : i32
      %mul3A_9 = arith.muli %scan3A_7, %mul3A_8 : i32
      %add3A_10 = arith.constant 0 : i32
      %add3A_11 = arith.addi %add3A_10, %mul3A_9 : i32
      %dma_start3A = tpu.memref_slice %arg5[%add3A_11] : memref<128xi32, #tpu.memory_space<vmem>> -> memref<64xi32, #tpu.memory_space<vmem>>
      %dma_start3A_12 = arith.constant 0 : i32
      %dma_start3A_13 = arith.constant 0 : i32
      %dma_start3A_14 = tpu.memref_slice %arg2[%dma_start3A_12, %dma_start3A_13] : memref<6144x768xf32, #tpu.memory_space<hbm>> -> memref<6144x768xf32, #tpu.memory_space<hbm>>
      tpu.enqueue_indirect_dma source(%dma_start3A_14 : memref<6144x768xf32, #tpu.memory_space<hbm>>) target(%arg6 : memref<64x768xf32, #tpu.memory_space<vmem>>) offsets(%dma_start3A : memref<64xi32, #tpu.memory_space<vmem>>) semaphore(%arg7 : memref<!tpu.dma_semaphore, #tpu.memory_space<semaphore_mem>>)
      %dma_wait3A = tpu.memref_slice %arg5[%add3A_11] : memref<128xi32, #tpu.memory_space<vmem>> -> memref<64xi32, #tpu.memory_space<vmem>>
      %dma_wait3A_15 = arith.constant 0 : i32
      %dma_wait3A_16 = arith.constant 0 : i32
      %dma_wait3A_17 = tpu.memref_slice %arg2[%dma_wait3A_15, %dma_wait3A_16] : memref<6144x768xf32, #tpu.memory_space<hbm>> -> memref<6144x768xf32, #tpu.memory_space<hbm>>
      tpu.wait_indirect_dma semaphore(%arg7 : memref<!tpu.dma_semaphore, #tpu.memory_space<semaphore_mem>>) src(%dma_wait3A_17 : memref<6144x768xf32, #tpu.memory_space<hbm>>) dst(%arg6 : memref<64x768xf32, #tpu.memory_space<vmem>>)
      %add3A_18 = arith.addi %mul3A_2, %add3A_11 : i32
      "tpu.region"() ({
        %run_scoped3A = tpu.sem_alloc : memref<!tpu.dma_semaphore, #tpu.memory_space<semaphore_mem>>
        %dma_start3A_19 = arith.constant 0 : i32
        %dma_start3A_20 = tpu.memref_slice %arg4[%add3A_18, %dma_start3A_19] : memref<4096x768xf32, #tpu.memory_space<hbm>> -> memref<64x768xf32, #tpu.memory_space<hbm>>
        %dma_start3A_21 = arith.constant 0 : i32
        %dma_start3A_22 = tpu.memref_slice %arg4[%add3A_18, %dma_start3A_21] : memref<4096x768xf32, #tpu.memory_space<hbm>> -> memref<64x768xf32, #tpu.memory_space<hbm>>
        tpu.enqueue_dma source(%arg6 : memref<64x768xf32, #tpu.memory_space<vmem>>) target(%dma_start3A_22 : memref<64x768xf32, #tpu.memory_space<hbm>>) target_semaphore(%run_scoped3A : memref<!tpu.dma_semaphore, #tpu.memory_space<semaphore_mem>>)
        %dma_wait3A_23 = arith.constant 0 : i32
        %dma_wait3A_24 = tpu.memref_slice %arg4[%add3A_18, %dma_wait3A_23] : memref<4096x768xf32, #tpu.memory_space<hbm>> -> memref<64x768xf32, #tpu.memory_space<hbm>>
        %dma_wait3A_25 = arith.constant 0 : i32
        %dma_wait3A_26 = tpu.memref_slice %arg4[%add3A_18, %dma_wait3A_25] : memref<4096x768xf32, #tpu.memory_space<hbm>> -> memref<64x768xf32, #tpu.memory_space<hbm>>
        tpu.wait_dma2 semaphore(%run_scoped3A : memref<!tpu.dma_semaphore, #tpu.memory_space<semaphore_mem>>) src(%arg6 : memref<64x768xf32, #tpu.memory_space<vmem>>) dst(%dma_wait3A_26 : memref<64x768xf32, #tpu.memory_space<hbm>>)
        tpu.yield
      }) : () -> ()
    }
    %scan3A_6 = arith.constant 2 : i32
    return
  }
}

#map = affine_map<(d0, d1) -> (0, 0)>
#map1 = affine_map<(d0, d1) -> (0)>
module attributes {stable_mosaic.version = 14 : i64} {
  func.func @k(%arg0: i32, %arg1: i32, %arg2: memref<2048x768xf32, #tpu.memory_space<hbm>>, %arg3: memref<6144xi32, #tpu.memory_space<hbm>>, %arg4: memref<6144x768xf32, #tpu.memory_space<hbm>>, %arg5: memref<192xi32, #tpu.memory_space<vmem>>, %arg6: memref<64x768xf32, #tpu.memory_space<vmem>>, %arg7: memref<!tpu.dma_semaphore, #tpu.memory_space<semaphore_mem>>) attributes {dimension_semantics = [#tpu.dimension_semantics<core_parallel>, #tpu.dimension_semantics<subcore_parallel>], iteration_bounds = array<i64: 2, 16>, scalar_prefetch = 0 : i64, scratch_operands = 3 : i64, tpu.core_type = #tpu.core_type<sc_vector_subcore>, window_params = [{transform_indices = #map}, {transform_indices = #map1}, {transform_indices = #map}]} {
    %mul3A = arith.constant 2 : i32
    %mul3A_0 = arith.muli %arg1, %mul3A : i32
    %add3A = arith.addi %mul3A_0, %arg0 : i32
    %mul3A_1 = arith.constant 192 : i32
    %mul3A_2 = arith.muli %add3A, %mul3A_1 : i32
    "tpu.region"() ({
      %run_scoped3A = tpu.sem_alloc : memref<!tpu.dma_semaphore, #tpu.memory_space<semaphore_mem>>
      %dma_start3A = tpu.memref_slice %arg3[%mul3A_2] : memref<6144xi32, #tpu.memory_space<hbm>> -> memref<192xi32, #tpu.memory_space<hbm>>
      %dma_start3A_7 = tpu.memref_slice %arg3[%mul3A_2] : memref<6144xi32, #tpu.memory_space<hbm>> -> memref<192xi32, #tpu.memory_space<hbm>>
      tpu.enqueue_dma source(%dma_start3A_7 : memref<192xi32, #tpu.memory_space<hbm>>) target(%arg5 : memref<192xi32, #tpu.memory_space<vmem>>) target_semaphore(%run_scoped3A : memref<!tpu.dma_semaphore, #tpu.memory_space<semaphore_mem>>)
      %dma_wait3A = tpu.memref_slice %arg3[%mul3A_2] : memref<6144xi32, #tpu.memory_space<hbm>> -> memref<192xi32, #tpu.memory_space<hbm>>
      %dma_wait3A_8 = tpu.memref_slice %arg3[%mul3A_2] : memref<6144xi32, #tpu.memory_space<hbm>> -> memref<192xi32, #tpu.memory_space<hbm>>
      tpu.wait_dma2 semaphore(%run_scoped3A : memref<!tpu.dma_semaphore, #tpu.memory_space<semaphore_mem>>) src(%dma_wait3A_8 : memref<192xi32, #tpu.memory_space<hbm>>) dst(%arg5 : memref<192xi32, #tpu.memory_space<vmem>>)
      tpu.yield
    }) : () -> ()
    %scan3A = arith.constant 0 : i32
    %scan3A_3 = arith.constant 3 : i32
    %scan3A_4 = arith.addi %scan3A, %scan3A_3 : i32
    %scan3A_5 = arith.constant 1 : i32
    scf.for %scan3A_7 = %scan3A to %scan3A_4 step %scan3A_5  : i32 {
      %mul3A_8 = arith.constant 64 : i32
      %mul3A_9 = arith.muli %scan3A_7, %mul3A_8 : i32
      %add3A_10 = arith.constant 0 : i32
      %add3A_11 = arith.addi %add3A_10, %mul3A_9 : i32
      %dma_start3A = tpu.memref_slice %arg5[%add3A_11] : memref<192xi32, #tpu.memory_space<vmem>> -> memref<64xi32, #tpu.memory_space<vmem>>
      %dma_start3A_12 = arith.constant 0 : i32
      %dma_start3A_13 = arith.constant 0 : i32
      %dma_start3A_14 = tpu.memref_slice %arg2[%dma_start3A_12, %dma_start3A_13] : memref<2048x768xf32, #tpu.memory_space<hbm>> -> memref<2048x768xf32, #tpu.memory_space<hbm>>
      tpu.enqueue_indirect_dma source(%dma_start3A_14 : memref<2048x768xf32, #tpu.memory_space<hbm>>) target(%arg6 : memref<64x768xf32, #tpu.memory_space<vmem>>) offsets(%dma_start3A : memref<64xi32, #tpu.memory_space<vmem>>) semaphore(%arg7 : memref<!tpu.dma_semaphore, #tpu.memory_space<semaphore_mem>>)
      %dma_wait3A = tpu.memref_slice %arg5[%add3A_11] : memref<192xi32, #tpu.memory_space<vmem>> -> memref<64xi32, #tpu.memory_space<vmem>>
      %dma_wait3A_15 = arith.constant 0 : i32
      %dma_wait3A_16 = arith.constant 0 : i32
      %dma_wait3A_17 = tpu.memref_slice %arg2[%dma_wait3A_15, %dma_wait3A_16] : memref<2048x768xf32, #tpu.memory_space<hbm>> -> memref<2048x768xf32, #tpu.memory_space<hbm>>
      tpu.wait_indirect_dma semaphore(%arg7 : memref<!tpu.dma_semaphore, #tpu.memory_space<semaphore_mem>>) src(%dma_wait3A_17 : memref<2048x768xf32, #tpu.memory_space<hbm>>) dst(%arg6 : memref<64x768xf32, #tpu.memory_space<vmem>>)
      %add3A_18 = arith.addi %mul3A_2, %add3A_11 : i32
      "tpu.region"() ({
        %run_scoped3A = tpu.sem_alloc : memref<!tpu.dma_semaphore, #tpu.memory_space<semaphore_mem>>
        %dma_start3A_19 = arith.constant 0 : i32
        %dma_start3A_20 = tpu.memref_slice %arg4[%add3A_18, %dma_start3A_19] : memref<6144x768xf32, #tpu.memory_space<hbm>> -> memref<64x768xf32, #tpu.memory_space<hbm>>
        %dma_start3A_21 = arith.constant 0 : i32
        %dma_start3A_22 = tpu.memref_slice %arg4[%add3A_18, %dma_start3A_21] : memref<6144x768xf32, #tpu.memory_space<hbm>> -> memref<64x768xf32, #tpu.memory_space<hbm>>
        tpu.enqueue_dma source(%arg6 : memref<64x768xf32, #tpu.memory_space<vmem>>) target(%dma_start3A_22 : memref<64x768xf32, #tpu.memory_space<hbm>>) target_semaphore(%run_scoped3A : memref<!tpu.dma_semaphore, #tpu.memory_space<semaphore_mem>>)
        %dma_wait3A_23 = arith.constant 0 : i32
        %dma_wait3A_24 = tpu.memref_slice %arg4[%add3A_18, %dma_wait3A_23] : memref<6144x768xf32, #tpu.memory_space<hbm>> -> memref<64x768xf32, #tpu.memory_space<hbm>>
        %dma_wait3A_25 = arith.constant 0 : i32
        %dma_wait3A_26 = tpu.memref_slice %arg4[%add3A_18, %dma_wait3A_25] : memref<6144x768xf32, #tpu.memory_space<hbm>> -> memref<64x768xf32, #tpu.memory_space<hbm>>
        tpu.wait_dma2 semaphore(%run_scoped3A : memref<!tpu.dma_semaphore, #tpu.memory_space<semaphore_mem>>) src(%arg6 : memref<64x768xf32, #tpu.memory_space<vmem>>) dst(%dma_wait3A_26 : memref<64x768xf32, #tpu.memory_space<hbm>>)
        tpu.yield
      }) : () -> ()
    }
    %scan3A_6 = arith.constant 3 : i32
    return
  }
}

module attributes {stable_mosaic.version = 14 : i64} {
  func.func @_gate_kernel(%arg0: i32, %arg1: memref<2048x768xf32, #tpu.memory_space<vmem>>, %arg2: memref<768x8xf32, #tpu.memory_space<vmem>>, %arg3: memref<1x8xf32, #tpu.memory_space<vmem>>, %arg4: memref<2048x8xf32, #tpu.memory_space<vmem>>) attributes {dimension_semantics = [#tpu.dimension_semantics<arbitrary>], iteration_bounds = array<i64: 1>, scalar_prefetch = 0 : i64, scratch_operands = 0 : i64, tpu.core_type = #tpu.core_type<tc>, window_params = [{pipeline_mode = #tpu.pipeline_mode<synchronous>, transform_indices = @transform_0, window_bounds = array<i64: 2048, 768>}, {pipeline_mode = #tpu.pipeline_mode<synchronous>, transform_indices = @transform_1, window_bounds = array<i64: 768, 8>}, {pipeline_mode = #tpu.pipeline_mode<synchronous>, transform_indices = @transform_2, window_bounds = array<i64: 1, 8>}, {pipeline_mode = #tpu.pipeline_mode<synchronous>, transform_indices = @transform_3, window_bounds = array<i64: 2048, 8>}]} {
    %get3A = arith.constant 0 : index
    %get3A_0 = arith.constant 0 : index
    %get3A_1 = vector.load %arg1[%get3A, %get3A_0] : memref<2048x768xf32, #tpu.memory_space<vmem>>, vector<2048x768xf32>
    %get3A_2 = arith.constant 0 : index
    %get3A_3 = arith.constant 0 : index
    %get3A_4 = vector.load %arg2[%get3A_2, %get3A_3] : memref<768x8xf32, #tpu.memory_space<vmem>>, vector<768x8xf32>
    %dot_general3A = arith.constant dense<0.000000e+00> : vector<2048x8xf32>
    %dot_general3A_5 = tpu.matmul %get3A_1, %get3A_4, %dot_general3A {dimension_numbers = #tpu.dot_dimension_numbers<[1], [0], [0], [1], [0, 0, 1, 1], [], []>, transpose_lhs_hint = false} : vector<2048x768xf32>, vector<768x8xf32>, vector<2048x8xf32> -> vector<2048x8xf32>
    %get3A_6 = arith.constant 0 : index
    %get3A_7 = arith.constant 0 : index
    %get3A_8 = vector.load %arg3[%get3A_6, %get3A_7] : memref<1x8xf32, #tpu.memory_space<vmem>>, vector<1x8xf32>
    %add3A = vector.broadcast %get3A_8 : vector<1x8xf32> to vector<2048x8xf32>
    %add3A_9 = arith.addf %dot_general3A_5, %add3A : vector<2048x8xf32>
    %iota3A = tpu.iota {dimensions = array<i32: 1>} : vector<2048x8xi32>
    %argmax3A = tpu.reduce_index %add3A_9 {axis = 1 : i32, kind = #tpu.reduction_kind<arg_max>} : vector<2048x8xf32> -> vector<2048xi32>
    %broadcast_in_dim3A = vector.shape_cast %argmax3A : vector<2048xi32> to vector<2048x1xi32>
    %eq3A = vector.broadcast %broadcast_in_dim3A : vector<2048x1xi32> to vector<2048x8xi32>
    %eq3A_10 = arith.cmpi eq, %iota3A, %eq3A : vector<2048x8xi32>
    %reduce_max3A = arith.constant dense<0xFF800000> : vector<2048xf32>
    %reduce_max3A_11 = vector.multi_reduction <maximumf>, %add3A_9, %reduce_max3A [1] : vector<2048x8xf32> to vector<2048xf32>
    %broadcast_in_dim3A_12 = vector.shape_cast %reduce_max3A_11 : vector<2048xf32> to vector<2048x1xf32>
    %jit3A = arith.constant 0xFF800000 : f32
    %broadcast_in_dim3A_13 = vector.broadcast %jit3A : f32 to vector<2048x8xf32>
    %select_n3A = arith.select %eq3A_10, %broadcast_in_dim3A_13, %add3A_9 : vector<2048x8xi1>, vector<2048x8xf32>
    %argmax3A_14 = tpu.reduce_index %select_n3A {axis = 1 : i32, kind = #tpu.reduction_kind<arg_max>} : vector<2048x8xf32> -> vector<2048xi32>
    %broadcast_in_dim3A_15 = vector.shape_cast %argmax3A_14 : vector<2048xi32> to vector<2048x1xi32>
    %reduce_max3A_16 = arith.constant dense<0xFF800000> : vector<2048xf32>
    %reduce_max3A_17 = vector.multi_reduction <maximumf>, %select_n3A, %reduce_max3A_16 [1] : vector<2048x8xf32> to vector<2048xf32>
    %broadcast_in_dim3A_18 = vector.shape_cast %reduce_max3A_17 : vector<2048xf32> to vector<2048x1xf32>
    %sub3A = arith.subf %broadcast_in_dim3A_18, %broadcast_in_dim3A_12 : vector<2048x1xf32>
    %exp3A = math.exp %sub3A : vector<2048x1xf32>
    %add3A_19 = arith.constant 1.000000e+00 : f32
    %add3A_20 = vector.broadcast %add3A_19 : f32 to vector<2048x1xf32>
    %add3A_21 = arith.addf %add3A_20, %exp3A : vector<2048x1xf32>
    %div3A = arith.constant 1.000000e+00 : f32
    %div3A_22 = vector.broadcast %div3A : f32 to vector<2048x1xf32>
    %div3A_23 = arith.divf %div3A_22, %add3A_21 : vector<2048x1xf32>
    %div3A_24 = arith.divf %exp3A, %add3A_21 : vector<2048x1xf32>
    %convert_element_type3A = arith.sitofp %broadcast_in_dim3A : vector<2048x1xi32> to vector<2048x1xf32>
    %convert_element_type3A_25 = arith.sitofp %broadcast_in_dim3A_15 : vector<2048x1xi32> to vector<2048x1xf32>
    %eq3A_26 = arith.constant 0 : i32
    %eq3A_27 = vector.broadcast %eq3A_26 : i32 to vector<2048x8xi32>
    %eq3A_28 = arith.cmpi eq, %iota3A, %eq3A_27 : vector<2048x8xi32>
    %eq3A_29 = arith.constant 1 : i32
    %eq3A_30 = vector.broadcast %eq3A_29 : i32 to vector<2048x8xi32>
    %eq3A_31 = arith.cmpi eq, %iota3A, %eq3A_30 : vector<2048x8xi32>
    %eq3A_32 = arith.constant 2 : i32
    %eq3A_33 = vector.broadcast %eq3A_32 : i32 to vector<2048x8xi32>
    %eq3A_34 = arith.cmpi eq, %iota3A, %eq3A_33 : vector<2048x8xi32>
    %eq3A_35 = arith.constant 3 : i32
    %eq3A_36 = vector.broadcast %eq3A_35 : i32 to vector<2048x8xi32>
    %eq3A_37 = arith.cmpi eq, %iota3A, %eq3A_36 : vector<2048x8xi32>
    %jit3A_38 = arith.constant 0.000000e+00 : f32
    %broadcast_in_dim3A_39 = vector.shape_cast %div3A_24 : vector<2048x1xf32> to vector<2048x1xf32>
    %broadcast_in_dim3A_40 = vector.broadcast %broadcast_in_dim3A_39 : vector<2048x1xf32> to vector<2048x8xf32>
    %broadcast_in_dim3A_41 = vector.broadcast %jit3A_38 : f32 to vector<2048x8xf32>
    %select_n3A_42 = arith.select %eq3A_37, %broadcast_in_dim3A_40, %broadcast_in_dim3A_41 : vector<2048x8xi1>, vector<2048x8xf32>
    %broadcast_in_dim3A_43 = vector.shape_cast %div3A_23 : vector<2048x1xf32> to vector<2048x1xf32>
    %broadcast_in_dim3A_44 = vector.broadcast %broadcast_in_dim3A_43 : vector<2048x1xf32> to vector<2048x8xf32>
    %select_n3A_45 = arith.select %eq3A_34, %broadcast_in_dim3A_44, %select_n3A_42 : vector<2048x8xi1>, vector<2048x8xf32>
    %broadcast_in_dim3A_46 = vector.shape_cast %convert_element_type3A_25 : vector<2048x1xf32> to vector<2048x1xf32>
    %broadcast_in_dim3A_47 = vector.broadcast %broadcast_in_dim3A_46 : vector<2048x1xf32> to vector<2048x8xf32>
    %select_n3A_48 = arith.select %eq3A_31, %broadcast_in_dim3A_47, %select_n3A_45 : vector<2048x8xi1>, vector<2048x8xf32>
    %broadcast_in_dim3A_49 = vector.shape_cast %convert_element_type3A : vector<2048x1xf32> to vector<2048x1xf32>
    %broadcast_in_dim3A_50 = vector.broadcast %broadcast_in_dim3A_49 : vector<2048x1xf32> to vector<2048x8xf32>
    %select_n3A_51 = arith.select %eq3A_28, %broadcast_in_dim3A_50, %select_n3A_48 : vector<2048x8xi1>, vector<2048x8xf32>
    %swap3A = arith.constant 0 : index
    %swap3A_52 = arith.constant 0 : index
    %swap3A_53 = vector.load %arg4[%swap3A, %swap3A_52] : memref<2048x8xf32, #tpu.memory_space<vmem>>, vector<2048x8xf32>
    tpu.vector_store %arg4[%swap3A, %swap3A_52], %select_n3A_51 {strides = array<i32>} : memref<2048x8xf32, #tpu.memory_space<vmem>>, vector<2048x8xf32>,
    return
  }
  func.func @transform_0(%arg0: i32) -> (i32, i32) {
    %c0_i32 = arith.constant 0 : i32
    %c0_i32_0 = arith.constant 0 : i32
    %c0_i32_1 = arith.constant 0 : i32
    return %c0_i32, %c0_i32_0 : i32, i32
  }
  func.func @transform_1(%arg0: i32) -> (i32, i32) {
    %c0_i32 = arith.constant 0 : i32
    %c0_i32_0 = arith.constant 0 : i32
    %c0_i32_1 = arith.constant 0 : i32
    return %c0_i32, %c0_i32_0 : i32, i32
  }
  func.func @transform_2(%arg0: i32) -> (i32, i32) {
    %c0_i32 = arith.constant 0 : i32
    %c0_i32_0 = arith.constant 0 : i32
    %c0_i32_1 = arith.constant 0 : i32
    return %c0_i32, %c0_i32_0 : i32, i32
  }
  func.func @transform_3(%arg0: i32) -> (i32, i32) {
    %c0_i32 = arith.constant 0 : i32
    %c0_i32_0 = arith.constant 0 : i32
    %c0_i32_1 = arith.constant 0 : i32
    return %c0_i32, %c0_i32_0 : i32, i32
  }
}

module attributes {stable_mosaic.version = 14 : i64} {
  func.func @_gmm_kernel(%arg0: i32, %arg1: memref<24xi32, #tpu.memory_space<smem>>, %arg2: memref<256x768xf32, #tpu.memory_space<vmem>>, %arg3: memref<1x768x768xbf16, #tpu.memory_space<vmem>>, %arg4: memref<1x1x768xf32, #tpu.memory_space<vmem>>, %arg5: memref<256x768xf32, #tpu.memory_space<vmem>>) attributes {dimension_semantics = [#tpu.dimension_semantics<arbitrary>], iteration_bounds = array<i64: 24>, scalar_prefetch = 1 : i64, scratch_operands = 0 : i64, tpu.core_type = #tpu.core_type<tc>, window_params = [{transform_indices = @transform_0, window_bounds = array<i64: 256, 768>}, {transform_indices = @transform_1, window_bounds = array<i64: 1, 768, 768>}, {transform_indices = @transform_2, window_bounds = array<i64: 1, 1, 768>}, {transform_indices = @transform_3, window_bounds = array<i64: 256, 768>}]} {
    %get3A = arith.constant 0 : index
    %get3A_0 = arith.constant 0 : index
    %get3A_1 = vector.load %arg2[%get3A, %get3A_0] : memref<256x768xf32, #tpu.memory_space<vmem>>, vector<256x768xf32>
    %convert_element_type3A = arith.truncf %get3A_1 : vector<256x768xf32> to vector<256x768xbf16>
    %get3A_2 = arith.constant 0 : index
    %get3A_3 = arith.constant 0 : index
    %get3A_4 = arith.constant 0 : index
    %get3A_5 = vector.load %arg3[%get3A_2, %get3A_3, %get3A_4] : memref<1x768x768xbf16, #tpu.memory_space<vmem>>, vector<1x768x768xbf16>
    %get3A_6 = vector.shape_cast %get3A_5 : vector<1x768x768xbf16> to vector<768x768xbf16>
    %dot_general3A = arith.constant dense<0.000000e+00> : vector<256x768xf32>
    %dot_general3A_7 = tpu.matmul %convert_element_type3A, %get3A_6, %dot_general3A {dimension_numbers = #tpu.dot_dimension_numbers<[1], [0], [0], [1], [0, 0, 1, 1], [], []>, transpose_lhs_hint = false} : vector<256x768xbf16>, vector<768x768xbf16>, vector<256x768xf32> -> vector<256x768xf32>
    %get3A_8 = arith.constant 0 : index
    %get3A_9 = arith.constant 0 : index
    %get3A_10 = arith.constant 0 : index
    %get3A_11 = vector.load %arg4[%get3A_8, %get3A_9, %get3A_10] : memref<1x1x768xf32, #tpu.memory_space<vmem>>, vector<1x1x768xf32>
    %get3A_12 = vector.shape_cast %get3A_11 : vector<1x1x768xf32> to vector<1x768xf32>
    %add3A = vector.broadcast %get3A_12 : vector<1x768xf32> to vector<256x768xf32>
    %add3A_13 = arith.addf %dot_general3A_7, %add3A : vector<256x768xf32>
    %swap3A = arith.constant 0 : index
    %swap3A_14 = arith.constant 0 : index
    %swap3A_15 = vector.load %arg5[%swap3A, %swap3A_14] : memref<256x768xf32, #tpu.memory_space<vmem>>, vector<256x768xf32>
    tpu.vector_store %arg5[%swap3A, %swap3A_14], %add3A_13 {strides = array<i32>} : memref<256x768xf32, #tpu.memory_space<vmem>>, vector<256x768xf32>,
    return
  }
  func.func @transform_0(%arg0: i32, %arg1: memref<24xi32, #tpu.memory_space<smem>>) -> (i32, i32) {
    %c0_i32 = arith.constant 0 : i32
    %c0_i32_0 = arith.constant 0 : i32
    return %arg0, %c0_i32 : i32, i32
  }
  func.func @transform_1(%arg0: i32, %arg1: memref<24xi32, #tpu.memory_space<smem>>) -> (i32, i32, i32) {
    %get3A = arith.index_cast %arg0 : i32 to index
    %get3A_0 = memref.load %arg1[%get3A] : memref<24xi32, #tpu.memory_space<smem>>
    %c0_i32 = arith.constant 0 : i32
    %c0_i32_1 = arith.constant 0 : i32
    %c0_i32_2 = arith.constant 0 : i32
    return %get3A_0, %c0_i32, %c0_i32_1 : i32, i32, i32
  }
  func.func @transform_2(%arg0: i32, %arg1: memref<24xi32, #tpu.memory_space<smem>>) -> (i32, i32, i32) {
    %get3A = arith.index_cast %arg0 : i32 to index
    %get3A_0 = memref.load %arg1[%get3A] : memref<24xi32, #tpu.memory_space<smem>>
    %c0_i32 = arith.constant 0 : i32
    %c0_i32_1 = arith.constant 0 : i32
    %c0_i32_2 = arith.constant 0 : i32
    return %get3A_0, %c0_i32, %c0_i32_1 : i32, i32, i32
  }
  func.func @transform_3(%arg0: i32, %arg1: memref<24xi32, #tpu.memory_space<smem>>) -> (i32, i32) {
    %c0_i32 = arith.constant 0 : i32
    %c0_i32_0 = arith.constant 0 : i32
    return %arg0, %c0_i32 : i32, i32
  }
}

module attributes {stable_mosaic.version = 14 : i64} {
  func.func @_combine_kernel(%arg0: i32, %arg1: memref<512x768xf32, #tpu.memory_space<vmem>>, %arg2: memref<512x768xf32, #tpu.memory_space<vmem>>, %arg3: memref<512x8xf32, #tpu.memory_space<vmem>>, %arg4: memref<512x768xf32, #tpu.memory_space<vmem>>) attributes {dimension_semantics = [#tpu.dimension_semantics<arbitrary>], iteration_bounds = array<i64: 4>, scalar_prefetch = 0 : i64, scratch_operands = 0 : i64, tpu.core_type = #tpu.core_type<tc>, window_params = [{transform_indices = @transform_0, window_bounds = array<i64: 512, 768>}, {transform_indices = @transform_1, window_bounds = array<i64: 512, 768>}, {transform_indices = @transform_2, window_bounds = array<i64: 512, 8>}, {transform_indices = @transform_3, window_bounds = array<i64: 512, 768>}]} {
    %get3A = arith.constant 0 : index
    %get3A_0 = arith.constant 2 : index
    %get3A_1 = vector.load %arg3[%get3A, %get3A_0] : memref<512x8xf32, #tpu.memory_space<vmem>>, vector<512x1xf32>
    %get3A_2 = arith.constant 0 : index
    %get3A_3 = arith.constant 3 : index
    %get3A_4 = vector.load %arg3[%get3A_2, %get3A_3] : memref<512x8xf32, #tpu.memory_space<vmem>>, vector<512x1xf32>
    %get3A_5 = arith.constant 0 : index
    %get3A_6 = arith.constant 0 : index
    %get3A_7 = vector.load %arg1[%get3A_5, %get3A_6] : memref<512x768xf32, #tpu.memory_space<vmem>>, vector<512x768xf32>
    %mul3A = vector.broadcast %get3A_1 : vector<512x1xf32> to vector<512x768xf32>
    %mul3A_8 = arith.mulf %mul3A, %get3A_7 : vector<512x768xf32>
    %get3A_9 = arith.constant 0 : index
    %get3A_10 = arith.constant 0 : index
    %get3A_11 = vector.load %arg2[%get3A_9, %get3A_10] : memref<512x768xf32, #tpu.memory_space<vmem>>, vector<512x768xf32>
    %mul3A_12 = vector.broadcast %get3A_4 : vector<512x1xf32> to vector<512x768xf32>
    %mul3A_13 = arith.mulf %mul3A_12, %get3A_11 : vector<512x768xf32>
    %add3A = arith.addf %mul3A_8, %mul3A_13 : vector<512x768xf32>
    %swap3A = arith.constant 0 : index
    %swap3A_14 = arith.constant 0 : index
    %swap3A_15 = vector.load %arg4[%swap3A, %swap3A_14] : memref<512x768xf32, #tpu.memory_space<vmem>>, vector<512x768xf32>
    tpu.vector_store %arg4[%swap3A, %swap3A_14], %add3A {strides = array<i32>} : memref<512x768xf32, #tpu.memory_space<vmem>>, vector<512x768xf32>,
    return
  }
  func.func @transform_0(%arg0: i32) -> (i32, i32) {
    %c0_i32 = arith.constant 0 : i32
    %c0_i32_0 = arith.constant 0 : i32
    return %arg0, %c0_i32 : i32, i32
  }
  func.func @transform_1(%arg0: i32) -> (i32, i32) {
    %add3A = arith.constant 4 : i32
    %add3A_0 = arith.addi %arg0, %add3A : i32
    %c0_i32 = arith.constant 0 : i32
    %c0_i32_1 = arith.constant 0 : i32
    return %add3A_0, %c0_i32 : i32, i32
  }
  func.func @transform_2(%arg0: i32) -> (i32, i32) {
    %c0_i32 = arith.constant 0 : i32
    %c0_i32_0 = arith.constant 0 : i32
    return %arg0, %c0_i32 : i32, i32
  }
  func.func @transform_3(%arg0: i32) -> (i32, i32) {
    %c0_i32 = arith.constant 0 : i32
    %c0_i32_0 = arith.constant 0 : i32
    return %arg0, %c0_i32 : i32, i32
  }
}

</mosaic_0001>

<sc_bundles>
// kernel: gather_offload_async_start
scs
__scs_entry_jumppad:
0x0: {  	(pc) =	sbr.rel $0x88, $3  }
0x1: {  	(tag) =	ssettag $0x0;
	lr =	simm.s32 $0x1  }
0x2: {  	[smem:$0x3F9C] =	sst lr;
	_ =	strace $0xD0000000  }
0x3: {  	_ = 	snop  }
0x4: {  	_ = 	snop  }
0x5: {  	_ = 	snop  }
0x6: {  	_ = 	snop  }
0x7: {  	_ = 	snop  }
__scs_overlays_trampoline_lowered:
0x8: {  	[smem:$0x3FAB] =	sst s0  }
0x9: {  	[smem:$0x3FAC] =	sst s1  }
0xa: {  	[smem:$0x3FAD] =	sst s2  }
0xb: {  	[smem:$0x3FAE] =	sst s3  }
0xc: {  	[smem:$0x3FAF] =	sst s4  }
0xd: {  	[smem:$0x3FB0] =	sst s5  }
0xe: {  	[smem:$0x3FB1] =	sst s6  }
0xf: {  	[smem:$0x3FB2] =	sst s7  }
0x10: {  	[smem:$0x3FB3] =	sst s8  }
0x11: {  	[smem:$0x3FB4] =	sst s9;
	s0 =	simm.s32 @!p0 $0x0  }
0x12: {  	s1 =	sld [smem:$0x3F9A];
	s0 =	simm.s32 @p0 $0x1  }
0x13: {  	[smem:$0x3FB5] =	sst s0;
	s0 =	simm.s32 @!p1 $0x0  }
0x14: {  	s2 =	sld [smem:$0x3F99];
	s0 =	simm.s32 @p1 $0x1  }
0x15: {  	[smem:$0x3FB6] =	sst s0;
	s0 =	simm.s32 @!p2 $0x0  }
0x16: {  	s3 =	sld [smem:$0x3FDB];
	s0 =	simm.s32 @p2 $0x1  }
0x17: {  	s4 =	simm.s32 $0x1BF5;
	[smem:$0x3FB8] =	sst s0  }
0x18: {  	s0 =	sld [smem:$0x3F9B];
	_ =	swait.ge [sflag:s4], $0x0  }
0x19: {  	s7 =	sld [smem:$0x3F9C]  }
0x1a: {  	s8 =	sadd.s32 $0xFFFFE003, lr  }
0x1b: {  	s9 =	sadd.s32 $0xFFFFFEF7, lr;
	s5 =	simm.s32 $0xFFFFFFFF;
	p2 =	slt.u32 s8, $0xFFFFF086  }
0x1c: {  	p1 =	slt.u32 s9, $0xF7A;
	s5 =	simm.s32 @!p2 $0x0  }
0x1d: {  	s5 =	simm.s32 @p1 $0x1;
	p0 =	seq.s32 s7, s2  }
0x1e: {  	s7 =	smul.u32 @!p0 $0xF7A, s2;
	p2 =	seq.s32 @!p0 s5, $0x0  }
0x1f: {  	s9 =	smul.u32 $0xF7A, s1;
	s8 =	simm.s32 @!p0 $0x1BF5;
	p2 =	por !p2, p0  }
0x20: {  	[sflag:s8] =	ssyncset.s32 @!p0 $0xFFFFF086;
	s6 =	sadd.s32 @!p0 s3, s7;
	s7 =	simm.s32 @!p0 $0x108  }
0x21: {  	s3 =	sadd.s32 s3, s9;
	s6 =	sadd.s32 @!p0 $0x88, s6;
	s7 =	simm.s32 @p2 $0x1082  }
0x22: {  	[simem:s7], [sflag:s8] =	dma.local @!p0 [hbm:s6], $0xF7A  }
0x23: {  	s9 =	sor.u32 $0xD0000000, s2;
	s6 =	simm.s32 $0x108;
	_ =	swait.ge @!p0 [sflag:s8], $0x0  }
0x24: {  	s3 =	sadd.s32 $0x88, s3;
	s6 =	simm.s32 @!p1 $0x1082;
	[sflag:s4] =	ssyncset.s32 $0xFFFFF086  }
0x25: {  	[simem:s6], [sflag:s4] =	dma.local [hbm:s3], $0xF7A  }
0x26: {  	[smem:$0x3F9C] =	sst s1;
	(tag) =	ssettag s2;
	_ =	strace s9  }
0x27: {  	s1 =	sld [smem:$0x3FAC]  }
0x28: {  	s2 =	sld [smem:$0x3FAD]  }
0x29: {  	s4 =	sld [smem:$0x3FAF]  }
0x2a: {  	p0 =	seq.s32 s5, $0x0;
	s5 =	sld [smem:$0x3FB0]  }
0x2b: {  	s6 =	sld [smem:$0x3FB1]  }
0x2c: {  	s7 =	sld [smem:$0x3FB2]  }
0x2d: {  	s3 =	simm.s32 $0x108;
	s8 =	sld [smem:$0x3FB3]  }
0x2e: {  	s3 =	simm.s32 @!p0 $0x1082;
	s9 =	sld [smem:$0x3FB4]  }
0x2f: {  	lr =	sadd.s32 s0, s3;
	s0 =	sld [smem:$0x3FAB]  }
0x30: {  	s3 =	sld [smem:$0x3FAE]  }
0x31: {  	[smem:$0x3FB7] =	sst s10  }
0x32: {  	s10 =	sld [smem:$0x3FB5];
	_ =	sdelay $0x3  }
0x33: {  	p0 =	seq.s32 s10, $0x1;
	s10 =	sld [smem:$0x3FB7];
	_ =	sdelay $0x3  }
0x34: {  	[smem:$0x3FB7] =	sst s10  }
0x35: {  	s10 =	sld [smem:$0x3FB6];
	_ =	sdelay $0x3  }
0x36: {  	p1 =	seq.s32 s10, $0x1;
	s10 =	sld [smem:$0x3FB7];
	_ =	sdelay $0x3  }
0x37: {  	[smem:$0x3FB7] =	sst s10  }
0x38: {  	s10 =	sld [smem:$0x3FB8]  }
0x39: {  	_ = 	snop;
	(pc) =	sbr.ind lr, $3  }
0x3a: {  	_ = 	snop  }
0x3b: {  	_ = 	snop  }
0x3c: {  	p2 =	seq.s32 s10, $0x1;
	s10 =	sld [smem:$0x3FB7]  }
0x3d: {  	_ =	shalt  }
0x3e: {  	_ =	shalt  }
0x3f: {  	_ =	shalt  }
0x40: {  	_ =	shalt  }
0x41: {  	_ =	shalt  }
0x42: {  	_ =	shalt  }
0x43: {  	_ =	shalt  }
0x44: {  	_ =	shalt  }
0x45: {  	_ =	shalt  }
0x46: {  	_ =	shalt  }
0x47: {  	_ =	shalt  }
0x48: {  	_ =	shalt  }
0x49: {  	_ =	shalt  }
0x4a: {  	_ =	shalt  }
0x4b: {  	_ =	shalt  }
0x4c: {  	_ =	shalt  }
0x4d: {  	_ =	shalt  }
0x4e: {  	_ =	shalt  }
0x4f: {  	_ =	shalt  }
0x50: {  	_ =	shalt  }
0x51: {  	_ =	shalt  }
0x52: {  	_ =	shalt  }
0x53: {  	_ =	shalt  }
0x54: {  	_ =	shalt  }
0x55: {  	_ =	shalt  }
0x56: {  	_ =	shalt  }
0x57: {  	_ =	shalt  }
0x58: {  	_ =	shalt  }
0x59: {  	_ =	shalt  }
0x5a: {  	_ =	shalt  }
0x5b: {  	_ =	shalt  }
0x5c: {  	_ =	shalt  }
0x5d: {  	_ =	shalt  }
0x5e: {  	_ =	shalt  }
0x5f: {  	_ =	shalt  }
0x60: {  	_ =	shalt  }
0x61: {  	_ =	shalt  }
0x62: {  	_ =	shalt  }
0x63: {  	_ =	shalt  }
0x64: {  	_ =	shalt  }
0x65: {  	_ =	shalt  }
0x66: {  	_ =	shalt  }
0x67: {  	_ =	shalt  }
0x68: {  	_ =	shalt  }
0x69: {  	_ =	shalt  }
0x6a: {  	_ =	shalt  }
0x6b: {  	_ =	shalt  }
0x6c: {  	_ =	shalt  }
0x6d: {  	_ =	shalt  }
0x6e: {  	_ =	shalt  }
0x6f: {  	_ =	shalt  }
0x70: {  	_ =	shalt  }
0x71: {  	_ =	shalt  }
0x72: {  	_ =	shalt  }
0x73: {  	_ =	shalt  }
0x74: {  	_ =	shalt  }
0x75: {  	_ =	shalt  }
0x76: {  	_ =	shalt  }
0x77: {  	_ =	shalt  }
0x78: {  	_ =	shalt  }
0x79: {  	_ =	shalt  }
0x7a: {  	_ =	shalt  }
0x7b: {  	_ =	shalt  }
0x7c: {  	_ =	shalt  }
0x7d: {  	_ =	shalt  }
0x7e: {  	_ =	shalt  }
0x7f: {  	_ =	shalt  }
0x80: {  	_ =	shalt  }
0x81: {  	_ =	shalt  }
0x82: {  	_ =	shalt  }
0x83: {  	_ =	shalt  }
0x84: {  	_ =	shalt  }
0x85: {  	_ =	shalt  }
0x86: {  	_ =	shalt  }
0x87: {  	_ =	shalt  }
.Lfunc_end0:
.L_simem_size_0:
called_computation_lowered:
.L_overlay_start_0:
0x88: {  	s2 =	sld [smem:$0x3FD9]  }
0x89: {  	s3 =	sld [smem:$0x3FFE];
	_ =	sdelay $0x1  }
0x8a: {  	s1 =	srdreg.scid  }
0x8b: {  	s0 =	sand.u32 $0x1, s1  }
0x8c: {  	s17 =	sshll.u32 s0, $0xA;
	s2 =	sadd.s32 s3, s2  }
0x8d: {  	s2 =	sadd.s32 s2, s17  }
0x8e: {  	[smem:$0x3FC3] =	sst s2  }
0x8f: {  	_ = 	snop  }
0x90: {  	s2 =	sld [smem:$0x3FD0];
	(tm) =	ssettm $0x1  }
0x91: {  	s18 =	sld [smem:$0x3FFB];
	_ =	sdelay $0x3  }
0x92: {  	_ =	strace s18  }
0x93: {  	s3 =	sld [smem:$0x3FFC];
	_ =	sdelay $0x3  }
0x94: {  	_ =	strace s3  }
0x95: {  	s3 =	sld [smem:$0x3FFD];
	_ =	sdelay $0x3  }
0x96: {  	_ =	strace s3  }
0x97: {  	_ =	strace $0x8FFFFFFF  }
0x98: {  	s19 =	sld [smem:$0x3FDB];
	_ =	sdelay $0x1  }
0x99: {  	s4 =	simm.s32 $_scs_section_size  }
0x9a: {  	s5 =	simm.s32 $_size__tile_overlayer_lowered;
	s6 =	simm.s32 $_tile_overlayer_lowered  }
0x9b: {  	s22 =	simm.s32 $0x1BFF;
	s21 =	sshll.u32 s6, $0x1;
	s3 =	sadd.s32 s4, s19  }
0x9c: {  	s7 =	simm.s32 $0x0;
	s20 =	sshll.u32 s5, $0x1;
	s5 =	sadd.s32 s21, s3  }
0x9d: {  	[timem:s7], [sflag:s22] =	dma.local [hbm:s5], s20  }
0x9e: {  	_ =	swait.ge [sflag:s22], s20  }
0x9f: {  	s4 =	ssub.s32 $0x0, s20;
	[sflag:s22] =	ssyncset.done $0x0  }
0xa0: {  	[sflag:s22] =	ssyncadd.s32 s4;
	_ =	sdelay $0x1  }
0xa1: {  	s23 =	simm.s32 $0x1B8B  }
0xa2: {  	_ =	swait.ge [sflag:s23], $0x1  }
0xa3: {  	[sflag:s23] =	ssyncset.done $0x0  }
0xa4: {  	s25 =	simm.s32 $0x1B8E;
	s24 =	sld [smem:$0x3FFE];
	[sflag:s23] =	ssyncadd.s32 $0xFFFFFFFF  }
0xa5: {  	s26 =	simm.s32 $execute0_lowered;
	[smem:$0x3FD2] =	sst s25  }
0xa6: {  	s5 =	sshll.u32 s26, $0x1;
	_ =	strace $0x80000046;
	[dreg:$0x1] =	wrdreg $0xFFFFFFFF  }
0xa7: {  	s28 =	simm.s32 $_size_execute0_lowered;
	s3 =	sadd.s32 s3, s5;
	[dreg:$0x0] =	wrdreg $0x0  }
0xa8: {  	s5 =	sshll.u32 s28, $0x1;
	[dreg:$0x2] =	wrdreg s3  }
0xa9: {  	[dreg:$0x3] =	wrdreg s5  }
0xaa: {  	[dreg:$0x4] =	wrdreg $0xC0  }
0xab: {  	_ =	task [dreg:s7], $0x5FFFF  }
0xac: {  	[dreg:$0x1] =	wrdreg $0xFFFFFFFF  }
0xad: {  	[dreg:$0x0] =	wrdreg $0x60  }
0xae: {  	[dreg:$0x2] =	wrdreg s2  }
0xaf: {  	[dreg:$0x3] =	wrdreg s24  }
0xb0: {  	[dreg:$0x4] =	wrdreg $0x9  }
0xb1: {  	_ =	task.clear_ibuf [dreg:s7], $0x5FFFF;
	_ =	strace $0x90000046  }
0xb2: {  	s29 =	simm.s32 $0x9;
	_ =	strace $0x80000048  }
0xb3: {  	_ =	swait.ge [sflag:s29], $0x1  }
0xb4: {  	[sflag:s29] =	ssyncadd.s32 $0xFFFFFFFF  }
0xb5: {  	_ =	strace $0x90000048  }
0xb6: {  	_ =	sfence  }
0xb7: {  	s30 =	sld [smem:$0x0];
	_ =	sdelay $0x2  }
0xb8: {  	s31 =	sshll.u32 s1, $0xD;
	s1 =	sshrl.u32 s1, $0x2  }
0xb9: {  	s3 =	sand.u32 $0x4000, s31;
	s1 =	sadd.s32 s1, s30  }
0xba: {  	s0 =	sor.u32 s3, s0;
	s1 =	sshll.u32 s1, $0x11  }
0xbb: {  	s0 =	sor.u32 s1, s0  }
0xbc: {  	s0 =	sadd.s32 $0x8F2B, s0  }
0xbd: {  	[sflag:s0] =	ssyncadd.remote.s32 $0x1  }
0xbe: {  	_ =	sfence.sel $0xFFFF  }
0xbf: {  	[dreg:$0x0] =	wrdreg $0xFFFFFFFF;
	(pc) =	sbr.abs _section_cstart, $3  }
0xc0: {  	[dreg:$0x1] =	wrdreg $0xFFFFFFFF  }
0xc1: {  	_ =	task.clear_ibuf [dreg:s7], $0x2FFFF;
	_ =	strace $0x9FFFFFFF  }
0xc2: {  	(tm) =	ssettm $0x7FFFFFFF  }
0xc3: {  	_ =	shalt  }
tec
execute0_lowered:
.L_overlay_start_1:
0x0: {  	(tag) =	ssettag $0x1  }
0x1: {  	s1 =	srdreg.scid;
	s2 =	rddreg [dreg:$0x0]  }
0x2: {  	s0 =	stileid.u32;
	s5 =	rddreg [dreg:$0x1];
	s6 =	simm.s32 $0x1  }
0x3: {  	s9 =	simm.s32 $0x1;
	s10 =	simm.s32 $0x3;
	s1 =	sshll.u32 s1, $0x6  }
0x4: {  	s13 =	simm.s32 $0x0;
	s3 =	sshll.u32 s0, $0x7;
	s4 =	sand.u32 $0x40, s1  }
0x5: {  	s12 =	simm.s32 $0x0;
	s1 =	rddreg [dreg:$0x2];
	s3 =	sor.u32 s3, s4  }
0x6: {  	_ =	strace $0x80000047;
	s4 =	sadd.s32 $0x200, s5;
	s8 =	ssub.s32 $0x1000, s3  }
.Ltmp0:
0x7: {  	s5 =	sadd.s32 $0x400, s5;
	s7 =	sand.u32 $0x7C0, s8;
	(pc) =	sbr.rel .LBB2_1-.Ltmp0, $4  }
0x8: {  	[sflag:s6] =	ssyncpa.u1 $0x0;
	s11 =	smov.u32 s3;
	p0 =	sne.s32 s7, $0x0  }
0x9: {  	s8 =	sshrl.u32 s8, $0xB;
	s7 =	simm.s32 $0x2;
	s9 =	simm.s32 @!p0 $0x0  }
0xa: {  	[sflag:s7] =	ssyncpa.u1 $0x0;
	p0 =	por $0x0, $0x0;
	s8 =	sadd.s32 s9, s8  }
0xb: {  	vm0 =	vmmov $0xffff;
	[sflag:s10] =	ssyncpa.u1 $0x0;
	s10 =	simm.s32 $0x0;
	s9 =	sadd.s32 $0x1, s8  }
.LBB2_4:
0xc: {  	v5 =	vshrl.u32 v1, $0xC;
	v6 =	vshll.u32 v1, $0x7  }
0xd: {  	vm1 =	veq.s32 v1, $0x80000000;
	v58 =	vand.u32 $0x7, v5;
	v59 =	vand.u32 $0x7FF80, v6  }
0xe: {  	v1 =	vsel vm1, $0xFFFFFFFF, v58;
	v5 =	vsel vm1, $0xFFFFFF80, v59  }
0xf: {  	v3 =	vor.u32 v4, v3;
	v60 =	vand.u32 $0xFFFFFC00, v5;
	v61 =	vand.u32 $0xFFFFFC00, v1  }
0x10: {  	v2 =	vor.u32 v2, v3;
	v63 =	vand.u32 $0x380, v5;
	v62 =	vadd.s32 v61, v60  }
0x11: {  	v1 =	vand.u32 $0x7F, v1;
	v3 =	vor.u32 v63, v62  }
0x12: {  	v1 =	vor.u32 v1, v3  }
0x13: {  	[tilespmem:s15], [sflag:$0x1] =	stream.indirect_vreg.gather [hbm4b:s2+s10], $0x1, v0, vm0, $0x4038;
	[tilespmem:$0x100] =	vst v63  }
0x14: {  	(ifvalue) =	ssetifvalue $0x7FFFFFFF  }
0x15: {  	[tilespmem:s16], [sflag:$0x1] =	stream.indirect_vreg.gather [hbm4b:s2+s10], $0x1, v2, vm0, $0x4038;
	[tilespmem:$0x100] =	vst v63  }
0x16: {  	s29 =	sadd.s32 $0x10, s16;
	(ifvalue) =	ssetifvalue $0x7FFFFFFF  }
0x17: {  	[tilespmem:s29], [sflag:$0x1] =	stream.indirect_vreg.gather [hbm4b:s2+s10], $0x1, v1, vm0, $0x4038;
	[tilespmem:$0x100] =	vst v63  }
0x18: {  	_ =	swait.ge [sflag:s6], $0x40  }
0x19: {  	s30 =	sshrl.u32 s13, $0x3;
	[sflag:s6] =	ssyncset.done $0x0  }
0x1a: {  	s31 =	sand.u32 $0x7, s13;
	s15 =	sadd.s32 s5, s30;
	[sflag:s6] =	ssyncadd.s32 $0xFFFFFFC0  }
0x1b: {  	[hbm4b:s15+s31] =	stream.linear.scatter [tilespmem:s14], [sflag:$0x3], $0x40, $0x38;
	[tilespmem:$0x100] =	vst v63  }
.LBB2_5:
0x1c: {  	s15 =	sadd.s32 $0x800, s11  }
0x1d: {  	p2 =	sgt.s32 s15, $0xFFF  }
0x1e: {  	s15 =	smov.u32 @p2 s3;
	p2 =	sne.s32 s12, s9  }
.Ltmp1:
0x1f: {  	p1 =	slt.u32 s12, $0x2;
	(pc) =	sbr.rel @!p2 .LBB2_6-.Ltmp1, $4  }
0x20: {  	s14 =	simm.s32 @!p1 $0x3  }
0x21: {  	s16 =	sadd.s32 $0x1, s12;
	_ =	swait.ge @!p1 [sflag:s14], $0x40  }
0x22: {  	s13 =	smov.u32 s11;
	p0 =	por !p0, !p0;
	[sflag:s14] =	ssyncset.done @!p1 $0x0  }
0x23: {  	s12 =	smov.u32 s16;
	s11 =	smov.u32 s15;
	[sflag:s14] =	ssyncadd.s32 @!p1 $0xFFFFFFC0  }
.LBB2_1:
0x24: {  	p1 =	sge.u32 s12, s8  }
0x25: {  	s14 =	sxor.u32 @!p1 $0xFFFFFFFF, s12  }
0x26: {  	s31 =	sadd.s32 $0xFFFFFFFF, s12;
	s15 =	sshrl.u32 @!p1 s11, $0x3;
	s14 =	sshll.u32 @!p1 s14, $0x6  }
0x27: {  	s16 =	sand.u32 @!p1 $0x7, s11;
	s15 =	sadd.s32 @!p1 s4, s15;
	s14 =	sand.u32 @!p1 $0x40, s14  }
0x28: {  	[tilespmem:s14], [sflag:$0x2] =	stream.linear.gather @!p1 [hbm4b:s15+s16], $0x40, $0x38;
	[tilespmem:$0x100] =	vst v63  }
0x29: {  	p1 =	sge.u32 s31, s8  }
.Ltmp2:
0x2a: {  	_ = 	snop;
	(pc) =	sbr.rel @p1 .LBB2_5-.Ltmp2, $1  }
0x2b: {  	_ =	sdelay $0x3  }
0x2c: {  	s14 =	simm.s32 $0x1  }
0x2d: {  	_ =	swait.ge [sflag:s7], $0x40;
	s14 =	simm.s32 @!p0 $0x0  }
0x2e: {  	[sflag:s7] =	ssyncset.done $0x0;
	s14 =	sshll.u32 s14, $0x6  }
0x2f: {  	[sflag:s7] =	ssyncadd.s32 $0xFFFFFFC0;
	(ifvalue) =	ssetifvalue $0x7FFFFFFF;
	v0 =	vld.msk [tilespmem:s14+$0x0 ss:$0x1], $0xffff;
	_ =	sdelay $0x4  }
0x30: {  	s15 =	sadd.s32 $0x10, s14;
	v2 =	vshrl.u32 v0, $0xC;
	v3 =	vshll.u32 v0, $0x7  }
0x31: {  	v1 =	vld.msk [tilespmem:s15+$0x0 ss:$0x1], $0xffff;
	vm1 =	veq.s32 v0, $0x80000000;
	v0 =	vand.u32 $0x7, v2;
	v2 =	vand.u32 $0x7FF80, v3  }
0x32: {  	v0 =	vsel vm1, $0xFFFFFFFF, v0;
	v2 =	vsel vm1, $0xFFFFFF80, v2  }
0x33: {  	v3 =	vand.u32 $0xFFFFFC00, v2;
	v4 =	vand.u32 $0xFFFFFC00, v0  }
0x34: {  	v2 =	vand.u32 $0x380, v2;
	v3 =	vadd.s32 v4, v3  }
0x35: {  	v0 =	vand.u32 $0x7F, v0;
	v2 =	vor.u32 v2, v3  }
0x36: {  	v5 =	vshll.u32 v1, $0x7;
	v4 =	vshrl.u32 v1, $0xC;
	v0 =	vor.u32 v0, v2  }
0x37: {  	s16 =	sshll.u32 s12, $0x6;
	vm1 =	veq.s32 v1, $0x80000000;
	v1 =	vand.u32 $0x7, v4;
	v4 =	vand.u32 $0x7FF80, v5  }
0x38: {  	s16 =	sand.u32 $0x40, s16;
	s18 =	sadd.s32 $0x10, s15;
	v3 =	vsel vm1, $0xFFFFFFFF, v1;
	v4 =	vsel vm1, $0xFFFFFF80, v4  }
0x39: {  	s17 =	simm.s32 $0x20;
	s15 =	sor.u32 $0x80, s14;
	s14 =	sor.u32 $0x80, s16;
	v1 =	vld.msk [tilespmem:s18+$0x0 ss:$0x1], $0xffff;
	v5 =	vand.u32 $0xFFFFFC00, v4;
	v6 =	vand.u32 $0xFFFFFC00, v3  }
0x3a: {  	s16 =	sadd.s32 $0x10, s15;
	s18 =	sadd.s32 $0x10, s18;
	(ifvalue) =	ssetifvalue $0x7FFFFFFF;
	v2 =	vand.u32 $0x7F, v3;
	v4 =	vand.u32 $0x380, v4;
	v3 =	vadd.s32 v6, v5  }
.LBB2_3:
0x3b: {  	[tilespmem:s15], [sflag:$0x1] =	stream.indirect_vreg.gather [hbm4b:s2+s10], $0x1, v0, vm0, $0x4038;
	[tilespmem:$0x100] =	vst v63  }
0x3c: {  	s17 =	sadd.s32 $0x10, s17  }
0x3d: {  	v3 =	vor.u32 v4, v3;
	p1 =	slt.u32 s17, $0x30  }
.Ltmp3:
0x3e: {  	v4 =	vshrl.u32 v1, $0xC;
	v5 =	vshll.u32 v1, $0x7;
	s15 =	smov.u32 s16;
	v0 =	vor.u32 v2, v3;
	v2 =	vmovc v1;
	v1 =	vld.msk [tilespmem:s18+$0x0 ss:$0x1], $0xffff;
	(pc) =	sbr.rel @p1 .LBB2_3-.Ltmp3, $4  }
0x3f: {  	v3 =	vand.u32 $0x7FF80, v5;
	vm1 =	veq.s32 v2, $0x80000000;
	v2 =	vand.u32 $0x7, v4  }
0x40: {  	v4 =	vsel vm1, $0xFFFFFFFF, v2;
	v5 =	vsel vm1, $0xFFFFFF80, v3  }
0x41: {  	v2 =	vand.u32 $0x7F, v4;
	v3 =	vand.u32 $0xFFFFFC00, v5;
	v4 =	vand.u32 $0xFFFFFC00, v4  }
0x42: {  	s16 =	sadd.s32 $0x10, s16;
	s18 =	sadd.s32 $0x10, s18;
	v3 =	vadd.s32 v4, v3;
	v4 =	vand.u32 $0x380, v5;
	(ifvalue) =	ssetifvalue $0x7FFFFFFF  }
.Ltmp4:
0x43: {  	_ = 	snop;
	(pc) =	sbr.rel .LBB2_4-.Ltmp4, $1  }
0x44: {  	_ =	sdelay $0x3  }
.LBB2_6:
0x45: {  	_ =	sfence.sel $0x180000  }
0x46: {  	s2 =	simm.s32 $0x2;
	[bflag:$0x0] =	sbarrier.arrive $0xFFFF  }
0x47: {  	s30 =	simm.s32 $0x3;
	[sflag:s2] =	ssyncpa.u1 $0x1  }
0x48: {  	s31 =	simm.s32 $0x1;
	[sflag:s30] =	ssyncpa.u1 $0x1  }
0x49: {  	[sflag:s31] =	ssyncpa.u1 $0x1  }
0x4a: {  	p0 =	sne.s32 s0, $0x0;
	_ =	strace $0x90000047  }
0x4b: {  	s0 =	sadd.s32 @!p0 $0x100000, s1;
	[bflag:$0x2] =	sbarrier.arrive $0xFFFF  }
0x4c: {  	[sflag:s0] =	ssyncadd.tile.s32 @!p0 $0x1;
	_ =	shalt  }
.Lfunc_end2:
_tile_overlayer_lowered:
.L_overlay_start_2:
0x4d: {  	(tag) =	ssettag $0x2  }
0x4e: {  	s0 =	rddreg [dreg:$0x0];
	s2 =	stileid.u32  }
0x4f: {  	s1 =	rddreg [dreg:$0x1];
	p0 =	sne.s32 s2, $0x0  }
0x50: {  	s3 =	rddreg [dreg:$0x2];
	[bflag:$0x3] =	sbarrier.arrive $0xFFFF;
	s2 =	simm.s32 @!p0 $0x1C01  }
0x51: {  	[timem:s3], [sflag:s2] =	dma.local @!p0 [hbm:s0], s1  }
0x52: {  	s0 =	simm.s32 @!p0 $0x1  }
0x53: {  	_ =	swait.ge @!p0 [sflag:s0], s1  }
0x54: {  	s1 =	ssub.s32 @!p0 $0x0, s1;
	[sflag:s0] =	ssyncset.done @!p0 $0x0  }
0x55: {  	[sflag:s0] =	ssyncadd.s32 @!p0 s1  }
0x56: {  	[bflag:$0x3] =	sbarrier.arrive $0xFFFF  }
0x57: {  	_ =	shalt  }

// kernel: kernel.10.cloned.1.call-start
scs
__scs_entry_jumppad:
0x0: {  	(pc) =	sbr.rel $0x88, $3  }
0x1: {  	(tag) =	ssettag $0x0;
	lr =	simm.s32 $0x1  }
0x2: {  	[smem:$0x3F9C] =	sst lr;
	_ =	strace $0xD0000000  }
0x3: {  	_ = 	snop  }
0x4: {  	_ = 	snop  }
0x5: {  	_ = 	snop  }
0x6: {  	_ = 	snop  }
0x7: {  	_ = 	snop  }
__scs_overlays_trampoline_lowered:
0x8: {  	[smem:$0x3FAB] =	sst s0  }
0x9: {  	[smem:$0x3FAC] =	sst s1  }
0xa: {  	[smem:$0x3FAD] =	sst s2  }
0xb: {  	[smem:$0x3FAE] =	sst s3  }
0xc: {  	[smem:$0x3FAF] =	sst s4  }
0xd: {  	[smem:$0x3FB0] =	sst s5  }
0xe: {  	[smem:$0x3FB1] =	sst s6  }
0xf: {  	[smem:$0x3FB2] =	sst s7  }
0x10: {  	[smem:$0x3FB3] =	sst s8  }
0x11: {  	[smem:$0x3FB4] =	sst s9;
	s0 =	simm.s32 @!p0 $0x0  }
0x12: {  	s1 =	sld [smem:$0x3F9A];
	s0 =	simm.s32 @p0 $0x1  }
0x13: {  	[smem:$0x3FB5] =	sst s0;
	s0 =	simm.s32 @!p1 $0x0  }
0x14: {  	s2 =	sld [smem:$0x3F99];
	s0 =	simm.s32 @p1 $0x1  }
0x15: {  	[smem:$0x3FB6] =	sst s0;
	s0 =	simm.s32 @!p2 $0x0  }
0x16: {  	s3 =	sld [smem:$0x3FDB];
	s0 =	simm.s32 @p2 $0x1  }
0x17: {  	s4 =	simm.s32 $0x1BF5;
	[smem:$0x3FB8] =	sst s0  }
0x18: {  	s0 =	sld [smem:$0x3F9B];
	_ =	swait.ge [sflag:s4], $0x0  }
0x19: {  	s7 =	sld [smem:$0x3F9C]  }
0x1a: {  	s8 =	sadd.s32 $0xFFFFE003, lr  }
0x1b: {  	s9 =	sadd.s32 $0xFFFFFEF7, lr;
	s5 =	simm.s32 $0xFFFFFFFF;
	p2 =	slt.u32 s8, $0xFFFFF086  }
0x1c: {  	p1 =	slt.u32 s9, $0xF7A;
	s5 =	simm.s32 @!p2 $0x0  }
0x1d: {  	s5 =	simm.s32 @p1 $0x1;
	p0 =	seq.s32 s7, s2  }
0x1e: {  	s7 =	smul.u32 @!p0 $0xF7A, s2;
	p2 =	seq.s32 @!p0 s5, $0x0  }
0x1f: {  	s9 =	smul.u32 $0xF7A, s1;
	s8 =	simm.s32 @!p0 $0x1BF5;
	p2 =	por !p2, p0  }
0x20: {  	[sflag:s8] =	ssyncset.s32 @!p0 $0xFFFFF086;
	s6 =	sadd.s32 @!p0 s3, s7;
	s7 =	simm.s32 @!p0 $0x108  }
0x21: {  	s3 =	sadd.s32 s3, s9;
	s6 =	sadd.s32 @!p0 $0x88, s6;
	s7 =	simm.s32 @p2 $0x1082  }
0x22: {  	[simem:s7], [sflag:s8] =	dma.local @!p0 [hbm:s6], $0xF7A  }
0x23: {  	s9 =	sor.u32 $0xD0000000, s2;
	s6 =	simm.s32 $0x108;
	_ =	swait.ge @!p0 [sflag:s8], $0x0  }
0x24: {  	s3 =	sadd.s32 $0x88, s3;
	s6 =	simm.s32 @!p1 $0x1082;
	[sflag:s4] =	ssyncset.s32 $0xFFFFF086  }
0x25: {  	[simem:s6], [sflag:s4] =	dma.local [hbm:s3], $0xF7A  }
0x26: {  	[smem:$0x3F9C] =	sst s1;
	(tag) =	ssettag s2;
	_ =	strace s9  }
0x27: {  	s1 =	sld [smem:$0x3FAC]  }
0x28: {  	s2 =	sld [smem:$0x3FAD]  }
0x29: {  	s4 =	sld [smem:$0x3FAF]  }
0x2a: {  	p0 =	seq.s32 s5, $0x0;
	s5 =	sld [smem:$0x3FB0]  }
0x2b: {  	s6 =	sld [smem:$0x3FB1]  }
0x2c: {  	s7 =	sld [smem:$0x3FB2]  }
0x2d: {  	s3 =	simm.s32 $0x108;
	s8 =	sld [smem:$0x3FB3]  }
0x2e: {  	s3 =	simm.s32 @!p0 $0x1082;
	s9 =	sld [smem:$0x3FB4]  }
0x2f: {  	lr =	sadd.s32 s0, s3;
	s0 =	sld [smem:$0x3FAB]  }
0x30: {  	s3 =	sld [smem:$0x3FAE]  }
0x31: {  	[smem:$0x3FB7] =	sst s10  }
0x32: {  	s10 =	sld [smem:$0x3FB5];
	_ =	sdelay $0x3  }
0x33: {  	p0 =	seq.s32 s10, $0x1;
	s10 =	sld [smem:$0x3FB7];
	_ =	sdelay $0x3  }
0x34: {  	[smem:$0x3FB7] =	sst s10  }
0x35: {  	s10 =	sld [smem:$0x3FB6];
	_ =	sdelay $0x3  }
0x36: {  	p1 =	seq.s32 s10, $0x1;
	s10 =	sld [smem:$0x3FB7];
	_ =	sdelay $0x3  }
0x37: {  	[smem:$0x3FB7] =	sst s10  }
0x38: {  	s10 =	sld [smem:$0x3FB8]  }
0x39: {  	_ = 	snop;
	(pc) =	sbr.ind lr, $3  }
0x3a: {  	_ = 	snop  }
0x3b: {  	_ = 	snop  }
0x3c: {  	p2 =	seq.s32 s10, $0x1;
	s10 =	sld [smem:$0x3FB7]  }
0x3d: {  	_ =	shalt  }
0x3e: {  	_ =	shalt  }
0x3f: {  	_ =	shalt  }
0x40: {  	_ =	shalt  }
0x41: {  	_ =	shalt  }
0x42: {  	_ =	shalt  }
0x43: {  	_ =	shalt  }
0x44: {  	_ =	shalt  }
0x45: {  	_ =	shalt  }
0x46: {  	_ =	shalt  }
0x47: {  	_ =	shalt  }
0x48: {  	_ =	shalt  }
0x49: {  	_ =	shalt  }
0x4a: {  	_ =	shalt  }
0x4b: {  	_ =	shalt  }
0x4c: {  	_ =	shalt  }
0x4d: {  	_ =	shalt  }
0x4e: {  	_ =	shalt  }
0x4f: {  	_ =	shalt  }
0x50: {  	_ =	shalt  }
0x51: {  	_ =	shalt  }
0x52: {  	_ =	shalt  }
0x53: {  	_ =	shalt  }
0x54: {  	_ =	shalt  }
0x55: {  	_ =	shalt  }
0x56: {  	_ =	shalt  }
0x57: {  	_ =	shalt  }
0x58: {  	_ =	shalt  }
0x59: {  	_ =	shalt  }
0x5a: {  	_ =	shalt  }
0x5b: {  	_ =	shalt  }
0x5c: {  	_ =	shalt  }
0x5d: {  	_ =	shalt  }
0x5e: {  	_ =	shalt  }
0x5f: {  	_ =	shalt  }
0x60: {  	_ =	shalt  }
0x61: {  	_ =	shalt  }
0x62: {  	_ =	shalt  }
0x63: {  	_ =	shalt  }
0x64: {  	_ =	shalt  }
0x65: {  	_ =	shalt  }
0x66: {  	_ =	shalt  }
0x67: {  	_ =	shalt  }
0x68: {  	_ =	shalt  }
0x69: {  	_ =	shalt  }
0x6a: {  	_ =	shalt  }
0x6b: {  	_ =	shalt  }
0x6c: {  	_ =	shalt  }
0x6d: {  	_ =	shalt  }
0x6e: {  	_ =	shalt  }
0x6f: {  	_ =	shalt  }
0x70: {  	_ =	shalt  }
0x71: {  	_ =	shalt  }
0x72: {  	_ =	shalt  }
0x73: {  	_ =	shalt  }
0x74: {  	_ =	shalt  }
0x75: {  	_ =	shalt  }
0x76: {  	_ =	shalt  }
0x77: {  	_ =	shalt  }
0x78: {  	_ =	shalt  }
0x79: {  	_ =	shalt  }
0x7a: {  	_ =	shalt  }
0x7b: {  	_ =	shalt  }
0x7c: {  	_ =	shalt  }
0x7d: {  	_ =	shalt  }
0x7e: {  	_ =	shalt  }
0x7f: {  	_ =	shalt  }
0x80: {  	_ =	shalt  }
0x81: {  	_ =	shalt  }
0x82: {  	_ =	shalt  }
0x83: {  	_ =	shalt  }
0x84: {  	_ =	shalt  }
0x85: {  	_ =	shalt  }
0x86: {  	_ =	shalt  }
0x87: {  	_ =	shalt  }
.Lfunc_end0:
.L_simem_size_0:
called_computation.2_lowered:
.L_overlay_start_0:
0x88: {  	s2 =	sld [smem:$0x3FD9]  }
0x89: {  	s3 =	sld [smem:$0x3FFE];
	_ =	sdelay $0x1  }
0x8a: {  	s1 =	srdreg.scid  }
0x8b: {  	s0 =	sand.u32 $0x1, s1  }
0x8c: {  	s16 =	sshll.u32 s0, $0xA;
	s2 =	sadd.s32 s3, s2  }
0x8d: {  	s2 =	sadd.s32 s2, s16  }
0x8e: {  	[smem:$0x3FC3] =	sst s2  }
0x8f: {  	_ = 	snop  }
0x90: {  	(tm) =	ssettm $0x1  }
0x91: {  	s17 =	sld [smem:$0x3FFB];
	_ =	sdelay $0x3  }
0x92: {  	_ =	strace s17  }
0x93: {  	s2 =	sld [smem:$0x3FFC];
	_ =	sdelay $0x3  }
0x94: {  	_ =	strace s2  }
0x95: {  	s2 =	sld [smem:$0x3FFD];
	_ =	sdelay $0x3  }
0x96: {  	_ =	strace s2  }
0x97: {  	_ =	strace $0x8FFFFFFF  }
0x98: {  	s18 =	sld [smem:$0x3FDB];
	_ =	sdelay $0x1  }
0x99: {  	s19 =	simm.s32 $_scs_section_size  }
0x9a: {  	s4 =	simm.s32 $_size__tile_overlayer_lowered;
	s5 =	simm.s32 $_tile_overlayer_lowered  }
0x9b: {  	s22 =	simm.s32 $0x1BFF;
	s21 =	sshll.u32 s5, $0x1;
	s2 =	sadd.s32 s19, s18  }
0x9c: {  	s6 =	simm.s32 $0x0;
	s20 =	sshll.u32 s4, $0x1;
	s4 =	sadd.s32 s21, s2  }
0x9d: {  	[timem:s6], [sflag:s22] =	dma.local [hbm:s4], s20  }
0x9e: {  	_ =	swait.ge [sflag:s22], s20  }
0x9f: {  	s3 =	ssub.s32 $0x0, s20;
	[sflag:s22] =	ssyncset.done $0x0  }
0xa0: {  	[sflag:s22] =	ssyncadd.s32 s3;
	_ =	sdelay $0x1  }
0xa1: {  	s23 =	simm.s32 $0x1B8B  }
0xa2: {  	_ =	swait.ge [sflag:s23], $0x1  }
0xa3: {  	[sflag:s23] =	ssyncset.done $0x0  }
0xa4: {  	s25 =	simm.s32 $0x1B8E;
	s24 =	sld [smem:$0x3FFE];
	[sflag:s23] =	ssyncadd.s32 $0xFFFFFFFF  }
0xa5: {  	s26 =	simm.s32 $execute0_lowered;
	[smem:$0x3FD2] =	sst s25  }
0xa6: {  	s4 =	sshll.u32 s26, $0x1;
	_ =	strace $0x8000004C;
	[dreg:$0x1] =	wrdreg $0xFFFFFFFF  }
0xa7: {  	s28 =	simm.s32 $_size_execute0_lowered;
	s2 =	sadd.s32 s2, s4;
	[dreg:$0x0] =	wrdreg $0x0  }
0xa8: {  	s4 =	sshll.u32 s28, $0x1;
	[dreg:$0x2] =	wrdreg s2  }
0xa9: {  	[dreg:$0x3] =	wrdreg s4  }
0xaa: {  	[dreg:$0x4] =	wrdreg $0xC0  }
0xab: {  	_ =	task [dreg:s6], $0x5FFFF  }
0xac: {  	[dreg:$0x1] =	wrdreg $0xFFFFFFFF  }
0xad: {  	[dreg:$0x0] =	wrdreg $0x60  }
0xae: {  	[dreg:$0x2] =	wrdreg s24  }
0xaf: {  	[dreg:$0x3] =	wrdreg $0x9  }
0xb0: {  	_ =	task.clear_ibuf [dreg:s6], $0x4FFFF;
	_ =	strace $0x9000004C  }
0xb1: {  	s29 =	simm.s32 $0x9;
	_ =	strace $0x8000004E  }
0xb2: {  	_ =	swait.ge [sflag:s29], $0x1  }
0xb3: {  	[sflag:s29] =	ssyncadd.s32 $0xFFFFFFFF  }
0xb4: {  	_ =	strace $0x9000004E  }
0xb5: {  	_ =	sfence  }
0xb6: {  	s30 =	sld [smem:$0x0];
	_ =	sdelay $0x2  }
0xb7: {  	s31 =	sshll.u32 s1, $0xD;
	s1 =	sshrl.u32 s1, $0x2  }
0xb8: {  	s3 =	sand.u32 $0x4000, s31;
	s1 =	sadd.s32 s1, s30  }
0xb9: {  	s0 =	sor.u32 s3, s0;
	s1 =	sshll.u32 s1, $0x11  }
0xba: {  	s0 =	sor.u32 s1, s0  }
0xbb: {  	s0 =	sadd.s32 $0x8F2B, s0  }
0xbc: {  	[sflag:s0] =	ssyncadd.remote.s32 $0x1  }
0xbd: {  	_ =	sfence.sel $0xFFFF  }
0xbe: {  	[dreg:$0x0] =	wrdreg $0xFFFFFFFF;
	(pc) =	sbr.abs _section_cstart, $3  }
0xbf: {  	[dreg:$0x1] =	wrdreg $0xFFFFFFFF  }
0xc0: {  	_ =	task.clear_ibuf [dreg:s6], $0x2FFFF;
	_ =	strace $0x9FFFFFFF  }
0xc1: {  	(tm) =	ssettm $0x7FFFFFFF  }
tec
execute0_lowered:
.L_overlay_start_1:
0x0: {  	(tag) =	ssettag $0x1  }
0x1: {  	s0 =	rddreg [dreg:$0x0];
	s1 =	srdreg.scid  }
0x2: {  	s2 =	simm.s32 $0x0;
	s3 =	stileid.u32;
	s10 =	simm.s32 $0x880  }
0x3: {  	s11 =	simm.s32 $0x1080;
	s12 =	simm.s32 $0x1880;
	s13 =	simm.s32 $0x2080  }
0x4: {  	s14 =	simm.s32 $0x2880;
	s15 =	simm.s32 $0x3080;
	s16 =	simm.s32 $0x3880  }
0x5: {  	s17 =	simm.s32 $0x4080;
	s18 =	simm.s32 $0x4880;
	s19 =	simm.s32 $0x5080  }
0x6: {  	s20 =	simm.s32 $0x5880;
	s21 =	simm.s32 $0x6080;
	s22 =	simm.s32 $0x6880  }
0x7: {  	s23 =	simm.s32 $0x7080;
	s24 =	simm.s32 $0x7880;
	s28 =	simm.s32 $0x9080  }
0x8: {  	s29 =	simm.s32 $0x9880;
	s30 =	simm.s32 $0xA080;
	s1 =	sand.u32 $0x1, s1  }
0x9: {  	s31 =	simm.s32 $0xA880;
	s3 =	sshll.u32 s3, $0x5;
	s4 =	sshll.u32 s1, $0x4  }
0xa: {  	[smem:$0x7FF] =	sst s2;
	s1 =	ssub.s32 $0x2, s1;
	s3 =	sor.u32 s4, s3  }
0xb: {  	_ =	strace $0x8000004D;
	s6 =	sshrl.u32 s1, $0x1;
	s4 =	sadd.s32 s3, s0  }
0xc: {  	s5 =	smul.u32 $0x300, s3;
	s3 =	sadd.s32 $0x90400, s0;
	s1 =	ssub.s32 s1, s6  }
0xd: {  	s4 =	sadd.s32 $0x200, s4;
	s6 =	smax.u32 s1, $0x1;
	s1 =	simm.s32 $0x1  }
0xe: {  	s7 =	sadd.s32 s5, s0;
	[dreg:$0x2] =	wrdreg s4;
	s4 =	sadd.s32 $0x90500, s0  }
0xf: {  	v2 =	vlaneseq.u32;
	s5 =	sadd.s32 $0x90600, s0;
	s0 =	simm.s32 $0x80;
	s25 =	sadd.s32 $0x400, s7  }
0x10: {  	vm0 =	vmmov $0xffff;
	v1 =	vshrl.u32 v2, $0x3;
	s26 =	sadd.s32 $0x1C00, s7;
	s7 =	simm.s32 $0x2;
	[dreg:$0x3] =	wrdreg s25  }
0x11: {  	v0 =	vand.u32 $0x7, v2;
	v2 =	vor.u32 $0x8, v2;
	v1 =	vmul.u32 $0x8, v1;
	[dreg:$0x4] =	wrdreg s26;
	s25 =	simm.s32 $0x8080;
	s26 =	simm.s32 $0x8880  }
.LBB2_1:
0x12: {  	s9 =	rddreg [dreg:$0x2]  }
0x13: {  	[tilespmem:s2], [sflag:$0x2] =	stream.linear.gather [hbm4b:s9+s2], $0x80, $0x38;
	[tilespmem:$0xC080] =	vst v63  }
0x14: {  	_ =	swait.ge [sflag:s7], $0x80  }
0x15: {  	[sflag:s7] =	ssyncset.done $0x0  }
0x16: {  	[sflag:s7] =	ssyncadd.s32 $0xFFFFFF80  }
0x17: {  	v3 =	vld [tilespmem:$0x0];
	_ =	sdelay $0x4  }
0x18: {  	v4 =	vshrl.u32 v3, $0x3  }
0x19: {  	v4 =	vmul.u32 $0x30, v4  }
0x1a: {  	v3 =	vand.u32 $0x7, v3  }
0x1b: {  	v3 =	vor.u32 v3, v4  }
0x1c: {  	v4 =	vperm.xlane v3, v0;
	_ =	sdelay $0x1  }
0x1d: {  	v4 =	vadd.s32 v1, v4;
	_ =	sdelay $0x3  }
0x1e: {  	v3 =	vperm.xlane v3, v2  }
0x1f: {  	[tilespmem:s0], [sflag:$0x1] =	stream.indirect_vreg.gather [hbm4b:s3+s2], $0x80, v4, vm0, $0xb8;
	[tilespmem:$0xC080] =	vst v63  }
0x20: {  	v3 =	vadd.s32 v1, v3  }
0x21: {  	[tilespmem:s10], [sflag:$0x1] =	stream.indirect_vreg.gather [hbm4b:s4+s2], $0x80, v4, vm0, $0xb8;
	[tilespmem:$0xC080] =	vst v63  }
0x22: {  	_ = 	snop  }
0x23: {  	[tilespmem:s11], [sflag:$0x1] =	stream.indirect_vreg.gather [hbm4b:s5+s2], $0x80, v4, vm0, $0xb8;
	[tilespmem:$0xC080] =	vst v63  }
0x24: {  	_ = 	snop  }
0x25: {  	[tilespmem:s12], [sflag:$0x1] =	stream.indirect_vreg.gather [hbm4b:s3+s2], $0x80, v3, vm0, $0xb8;
	[tilespmem:$0xC080] =	vst v63  }
0x26: {  	_ = 	snop  }
0x27: {  	[tilespmem:s13], [sflag:$0x1] =	stream.indirect_vreg.gather [hbm4b:s4+s2], $0x80, v3, vm0, $0xb8;
	[tilespmem:$0xC080] =	vst v63  }
0x28: {  	_ = 	snop  }
0x29: {  	[tilespmem:s14], [sflag:$0x1] =	stream.indirect_vreg.gather [hbm4b:s5+s2], $0x80, v3, vm0, $0xb8;
	[tilespmem:$0xC080] =	vst v63  }
0x2a: {  	v3 =	vld [tilespmem:$0x10];
	_ =	sdelay $0x4  }
0x2b: {  	v57 =	vshrl.u32 v3, $0x3  }
0x2c: {  	v4 =	vmul.u32 $0x30, v57  }
0x2d: {  	v3 =	vand.u32 $0x7, v3  }
0x2e: {  	v3 =	vor.u32 v3, v4  }
0x2f: {  	v4 =	vperm.xlane v3, v0;
	_ =	sdelay $0x1  }
0x30: {  	v4 =	vadd.s32 v1, v4;
	_ =	sdelay $0x3  }
0x31: {  	v3 =	vperm.xlane v3, v2  }
0x32: {  	[tilespmem:s15], [sflag:$0x1] =	stream.indirect_vreg.gather [hbm4b:s3+s2], $0x80, v4, vm0, $0xb8;
	[tilespmem:$0xC080] =	vst v63  }
0x33: {  	v3 =	vadd.s32 v1, v3  }
0x34: {  	[tilespmem:s16], [sflag:$0x1] =	stream.indirect_vreg.gather [hbm4b:s4+s2], $0x80, v4, vm0, $0xb8;
	[tilespmem:$0xC080] =	vst v63  }
0x35: {  	_ = 	snop  }
0x36: {  	[tilespmem:s17], [sflag:$0x1] =	stream.indirect_vreg.gather [hbm4b:s5+s2], $0x80, v4, vm0, $0xb8;
	[tilespmem:$0xC080] =	vst v63  }
0x37: {  	_ = 	snop  }
0x38: {  	[tilespmem:s18], [sflag:$0x1] =	stream.indirect_vreg.gather [hbm4b:s3+s2], $0x80, v3, vm0, $0xb8;
	[tilespmem:$0xC080] =	vst v63  }
0x39: {  	_ = 	snop  }
0x3a: {  	[tilespmem:s19], [sflag:$0x1] =	stream.indirect_vreg.gather [hbm4b:s4+s2], $0x80, v3, vm0, $0xb8;
	[tilespmem:$0xC080] =	vst v63  }
0x3b: {  	_ = 	snop  }
0x3c: {  	[tilespmem:s20], [sflag:$0x1] =	stream.indirect_vreg.gather [hbm4b:s5+s2], $0x80, v3, vm0, $0xb8;
	[tilespmem:$0xC080] =	vst v63  }
0x3d: {  	v3 =	vld [tilespmem:$0x20];
	_ =	sdelay $0x4  }
0x3e: {  	v58 =	vshrl.u32 v3, $0x3  }
0x3f: {  	v4 =	vmul.u32 $0x30, v58  }
0x40: {  	v3 =	vand.u32 $0x7, v3  }
0x41: {  	v3 =	vor.u32 v3, v4  }
0x42: {  	v4 =	vperm.xlane v3, v0;
	_ =	sdelay $0x1  }
0x43: {  	v4 =	vadd.s32 v1, v4;
	_ =	sdelay $0x3  }
0x44: {  	v3 =	vperm.xlane v3, v2  }
0x45: {  	[tilespmem:s21], [sflag:$0x1] =	stream.indirect_vreg.gather [hbm4b:s3+s2], $0x80, v4, vm0, $0xb8;
	[tilespmem:$0xC080] =	vst v63  }
0x46: {  	v3 =	vadd.s32 v1, v3  }
0x47: {  	[tilespmem:s22], [sflag:$0x1] =	stream.indirect_vreg.gather [hbm4b:s4+s2], $0x80, v4, vm0, $0xb8;
	[tilespmem:$0xC080] =	vst v63  }
0x48: {  	_ = 	snop  }
0x49: {  	[tilespmem:s23], [sflag:$0x1] =	stream.indirect_vreg.gather [hbm4b:s5+s2], $0x80, v4, vm0, $0xb8;
	[tilespmem:$0xC080] =	vst v63  }
0x4a: {  	_ = 	snop  }
0x4b: {  	[tilespmem:s24], [sflag:$0x1] =	stream.indirect_vreg.gather [hbm4b:s3+s2], $0x80, v3, vm0, $0xb8;
	[tilespmem:$0xC080] =	vst v63  }
0x4c: {  	_ = 	snop  }
0x4d: {  	[tilespmem:s25], [sflag:$0x1] =	stream.indirect_vreg.gather [hbm4b:s4+s2], $0x80, v3, vm0, $0xb8;
	[tilespmem:$0xC080] =	vst v63  }
0x4e: {  	_ = 	snop  }
0x4f: {  	[tilespmem:s26], [sflag:$0x1] =	stream.indirect_vreg.gather [hbm4b:s5+s2], $0x80, v3, vm0, $0xb8;
	[tilespmem:$0xC080] =	vst v63  }
0x50: {  	v3 =	vld [tilespmem:$0x30];
	_ =	sdelay $0x4  }
0x51: {  	v59 =	vshrl.u32 v3, $0x3  }
0x52: {  	v4 =	vmul.u32 $0x30, v59  }
0x53: {  	v3 =	vand.u32 $0x7, v3  }
0x54: {  	v3 =	vor.u32 v3, v4  }
0x55: {  	v4 =	vperm.xlane v3, v0;
	_ =	sdelay $0x1  }
0x56: {  	v4 =	vadd.s32 v1, v4;
	_ =	sdelay $0x3  }
0x57: {  	v3 =	vperm.xlane v3, v2  }
0x58: {  	[tilespmem:s28], [sflag:$0x1] =	stream.indirect_vreg.gather [hbm4b:s3+s2], $0x80, v4, vm0, $0xb8;
	[tilespmem:$0xC080] =	vst v63  }
0x59: {  	v3 =	vadd.s32 v1, v3  }
0x5a: {  	[tilespmem:s29], [sflag:$0x1] =	stream.indirect_vreg.gather [hbm4b:s4+s2], $0x80, v4, vm0, $0xb8;
	[tilespmem:$0xC080] =	vst v63  }
0x5b: {  	_ = 	snop  }
0x5c: {  	[tilespmem:s30], [sflag:$0x1] =	stream.indirect_vreg.gather [hbm4b:s5+s2], $0x80, v4, vm0, $0xb8;
	[tilespmem:$0xC080] =	vst v63  }
0x5d: {  	_ = 	snop  }
0x5e: {  	[tilespmem:s31], [sflag:$0x1] =	stream.indirect_vreg.gather [hbm4b:s3+s2], $0x80, v3, vm0, $0xb8;
	[tilespmem:$0xC080] =	vst v63  }
0x5f: {  	s8 =	simm.s32 $0xB080  }
0x60: {  	[tilespmem:s8], [sflag:$0x1] =	stream.indirect_vreg.gather [hbm4b:s4+s2], $0x80, v3, vm0, $0xb8;
	[tilespmem:$0xC080] =	vst v63  }
0x61: {  	s8 =	simm.s32 $0xB880  }
0x62: {  	[tilespmem:s8], [sflag:$0x1] =	stream.indirect_vreg.gather [hbm4b:s5+s2], $0x80, v3, vm0, $0xb8;
	[tilespmem:$0xC080] =	vst v63  }
0x63: {  	_ =	swait.ge [sflag:s1], $0xC000  }
0x64: {  	[sflag:s1] =	ssyncset.done $0x0  }
0x65: {  	s9 =	rddreg [dreg:$0x3];
	[sflag:s1] =	ssyncadd.s32 $0xFFFF4000  }
0x66: {  	[hbm4b:s9+s2] =	stream.linear.scatter [tilespmem:s0], [sflag:$0x2], $0xC000, $0x38;
	[tilespmem:$0xC080] =	vst v63  }
0x67: {  	_ =	swait.ge [sflag:s7], $0xC000  }
0x68: {  	[sflag:s7] =	ssyncset.done $0x0  }
0x69: {  	[sflag:s7] =	ssyncadd.s32 $0xFFFF4000  }
0x6a: {  	v3 =	vld [tilespmem:$0x40];
	_ =	sdelay $0x4  }
0x6b: {  	v60 =	vshrl.u32 v3, $0x3  }
0x6c: {  	v4 =	vmul.u32 $0x30, v60  }
0x6d: {  	v3 =	vand.u32 $0x7, v3  }
0x6e: {  	v3 =	vor.u32 v3, v4  }
0x6f: {  	v4 =	vperm.xlane v3, v0;
	_ =	sdelay $0x1  }
0x70: {  	v4 =	vadd.s32 v1, v4;
	_ =	sdelay $0x3  }
0x71: {  	v3 =	vperm.xlane v3, v2  }
0x72: {  	[tilespmem:s0], [sflag:$0x1] =	stream.indirect_vreg.gather [hbm4b:s3+s2], $0x80, v4, vm0, $0xb8;
	[tilespmem:$0xC080] =	vst v63  }
0x73: {  	v3 =	vadd.s32 v1, v3  }
0x74: {  	[tilespmem:s10], [sflag:$0x1] =	stream.indirect_vreg.gather [hbm4b:s4+s2], $0x80, v4, vm0, $0xb8;
	[tilespmem:$0xC080] =	vst v63  }
0x75: {  	_ = 	snop  }
0x76: {  	[tilespmem:s11], [sflag:$0x1] =	stream.indirect_vreg.gather [hbm4b:s5+s2], $0x80, v4, vm0, $0xb8;
	[tilespmem:$0xC080] =	vst v63  }
0x77: {  	_ = 	snop  }
0x78: {  	[tilespmem:s12], [sflag:$0x1] =	stream.indirect_vreg.gather [hbm4b:s3+s2], $0x80, v3, vm0, $0xb8;
	[tilespmem:$0xC080] =	vst v63  }
0x79: {  	_ = 	snop  }
0x7a: {  	[tilespmem:s13], [sflag:$0x1] =	stream.indirect_vreg.gather [hbm4b:s4+s2], $0x80, v3, vm0, $0xb8;
	[tilespmem:$0xC080] =	vst v63  }
0x7b: {  	_ = 	snop  }
0x7c: {  	[tilespmem:s14], [sflag:$0x1] =	stream.indirect_vreg.gather [hbm4b:s5+s2], $0x80, v3, vm0, $0xb8;
	[tilespmem:$0xC080] =	vst v63  }
0x7d: {  	v3 =	vld [tilespmem:$0x50];
	_ =	sdelay $0x4  }
0x7e: {  	v61 =	vshrl.u32 v3, $0x3  }
0x7f: {  	v4 =	vmul.u32 $0x30, v61  }
0x80: {  	v3 =	vand.u32 $0x7, v3  }
0x81: {  	v3 =	vor.u32 v3, v4  }
0x82: {  	v4 =	vperm.xlane v3, v0;
	_ =	sdelay $0x1  }
0x83: {  	v4 =	vadd.s32 v1, v4;
	_ =	sdelay $0x3  }
0x84: {  	v3 =	vperm.xlane v3, v2  }
0x85: {  	[tilespmem:s15], [sflag:$0x1] =	stream.indirect_vreg.gather [hbm4b:s3+s2], $0x80, v4, vm0, $0xb8;
	[tilespmem:$0xC080] =	vst v63  }
0x86: {  	v3 =	vadd.s32 v1, v3  }
0x87: {  	[tilespmem:s16], [sflag:$0x1] =	stream.indirect_vreg.gather [hbm4b:s4+s2], $0x80, v4, vm0, $0xb8;
	[tilespmem:$0xC080] =	vst v63  }
0x88: {  	_ = 	snop  }
0x89: {  	[tilespmem:s17], [sflag:$0x1] =	stream.indirect_vreg.gather [hbm4b:s5+s2], $0x80, v4, vm0, $0xb8;
	[tilespmem:$0xC080] =	vst v63  }
0x8a: {  	_ = 	snop  }
0x8b: {  	[tilespmem:s18], [sflag:$0x1] =	stream.indirect_vreg.gather [hbm4b:s3+s2], $0x80, v3, vm0, $0xb8;
	[tilespmem:$0xC080] =	vst v63  }
0x8c: {  	_ = 	snop  }
0x8d: {  	[tilespmem:s19], [sflag:$0x1] =	stream.indirect_vreg.gather [hbm4b:s4+s2], $0x80, v3, vm0, $0xb8;
	[tilespmem:$0xC080] =	vst v63  }
0x8e: {  	_ = 	snop  }
0x8f: {  	[tilespmem:s20], [sflag:$0x1] =	stream.indirect_vreg.gather [hbm4b:s5+s2], $0x80, v3, vm0, $0xb8;
	[tilespmem:$0xC080] =	vst v63  }
0x90: {  	v3 =	vld [tilespmem:$0x60];
	_ =	sdelay $0x4  }
0x91: {  	v62 =	vshrl.u32 v3, $0x3  }
0x92: {  	v4 =	vmul.u32 $0x30, v62  }
0x93: {  	v3 =	vand.u32 $0x7, v3  }
0x94: {  	v3 =	vor.u32 v3, v4  }
0x95: {  	v4 =	vperm.xlane v3, v0;
	_ =	sdelay $0x1  }
0x96: {  	v4 =	vadd.s32 v1, v4;
	_ =	sdelay $0x3  }
0x97: {  	v3 =	vperm.xlane v3, v2  }
0x98: {  	[tilespmem:s21], [sflag:$0x1] =	stream.indirect_vreg.gather [hbm4b:s3+s2], $0x80, v4, vm0, $0xb8;
	[tilespmem:$0xC080] =	vst v63  }
0x99: {  	v3 =	vadd.s32 v1, v3  }
0x9a: {  	[tilespmem:s22], [sflag:$0x1] =	stream.indirect_vreg.gather [hbm4b:s4+s2], $0x80, v4, vm0, $0xb8;
	[tilespmem:$0xC080] =	vst v63  }
0x9b: {  	_ = 	snop  }
0x9c: {  	[tilespmem:s23], [sflag:$0x1] =	stream.indirect_vreg.gather [hbm4b:s5+s2], $0x80, v4, vm0, $0xb8;
	[tilespmem:$0xC080] =	vst v63  }
0x9d: {  	_ = 	snop  }
0x9e: {  	[tilespmem:s24], [sflag:$0x1] =	stream.indirect_vreg.gather [hbm4b:s3+s2], $0x80, v3, vm0, $0xb8;
	[tilespmem:$0xC080] =	vst v63  }
0x9f: {  	_ = 	snop  }
0xa0: {  	[tilespmem:s25], [sflag:$0x1] =	stream.indirect_vreg.gather [hbm4b:s4+s2], $0x80, v3, vm0, $0xb8;
	[tilespmem:$0xC080] =	vst v63  }
0xa1: {  	_ = 	snop  }
0xa2: {  	[tilespmem:s26], [sflag:$0x1] =	stream.indirect_vreg.gather [hbm4b:s5+s2], $0x80, v3, vm0, $0xb8;
	[tilespmem:$0xC080] =	vst v63  }
0xa3: {  	v3 =	vld [tilespmem:$0x70];
	_ =	sdelay $0x4  }
0xa4: {  	v63 =	vshrl.u32 v3, $0x3  }
0xa5: {  	v4 =	vmul.u32 $0x30, v63  }
0xa6: {  	v3 =	vand.u32 $0x7, v3  }
0xa7: {  	v3 =	vor.u32 v3, v4  }
0xa8: {  	v4 =	vperm.xlane v3, v0;
	_ =	sdelay $0x1  }
0xa9: {  	v4 =	vadd.s32 v1, v4;
	_ =	sdelay $0x3  }
0xaa: {  	v3 =	vperm.xlane v3, v2  }
0xab: {  	[tilespmem:s28], [sflag:$0x1] =	stream.indirect_vreg.gather [hbm4b:s3+s2], $0x80, v4, vm0, $0xb8;
	[tilespmem:$0xC080] =	vst v63  }
0xac: {  	v3 =	vadd.s32 v1, v3  }
0xad: {  	[tilespmem:s29], [sflag:$0x1] =	stream.indirect_vreg.gather [hbm4b:s4+s2], $0x80, v4, vm0, $0xb8;
	[tilespmem:$0xC080] =	vst v63  }
0xae: {  	_ = 	snop  }
0xaf: {  	[tilespmem:s30], [sflag:$0x1] =	stream.indirect_vreg.gather [hbm4b:s5+s2], $0x80, v4, vm0, $0xb8;
	[tilespmem:$0xC080] =	vst v63  }
0xb0: {  	_ = 	snop  }
0xb1: {  	[tilespmem:s31], [sflag:$0x1] =	stream.indirect_vreg.gather [hbm4b:s3+s2], $0x80, v3, vm0, $0xb8;
	[tilespmem:$0xC080] =	vst v63  }
0xb2: {  	s9 =	simm.s32 $0xB080  }
0xb3: {  	[tilespmem:s9], [sflag:$0x1] =	stream.indirect_vreg.gather [hbm4b:s4+s2], $0x80, v3, vm0, $0xb8;
	[tilespmem:$0xC080] =	vst v63  }
0xb4: {  	_ = 	snop  }
0xb5: {  	[tilespmem:s8], [sflag:$0x1] =	stream.indirect_vreg.gather [hbm4b:s5+s2], $0x80, v3, vm0, $0xb8;
	[tilespmem:$0xC080] =	vst v63  }
0xb6: {  	_ =	swait.ge [sflag:s1], $0xC000  }
0xb7: {  	p0 =	sne.s32 s6, $0x1;
	[sflag:s1] =	ssyncset.done $0x0  }
.Ltmp0:
0xb8: {  	s8 =	rddreg [dreg:$0x4];
	[sflag:s1] =	ssyncadd.s32 $0xFFFF4000;
	(pc) =	sbr.rel @p0 .LBB2_1-.Ltmp0, $4  }
0xb9: {  	[hbm4b:s8+s2] =	stream.linear.scatter [tilespmem:s0], [sflag:$0x2], $0xC000, $0x38;
	[tilespmem:$0xC080] =	vst v63  }
0xba: {  	_ =	swait.ge [sflag:s7], $0xC000  }
0xbb: {  	[sflag:s7] =	ssyncset.done $0x0  }
0xbc: {  	s6 =	sadd.s32 $0xFFFFFFFF, s6;
	[sflag:s7] =	ssyncadd.s32 $0xFFFF4000  }
0xbd: {  	_ =	sfence.sel $0x180000  }
0xbe: {  	[bflag:$0x0] =	sbarrier.arrive $0xFFFF  }
0xbf: {  	_ =	strace $0x9000004D  }
0xc0: {  	s0 =	stileid.u32;
	[bflag:$0x2] =	sbarrier.arrive $0xFFFF  }
0xc1: {  	p0 =	sne.s32 s0, $0x0;
	s0 =	rddreg [dreg:$0x1]  }
0xc2: {  	s0 =	sadd.s32 @!p0 $0x100000, s0  }
0xc3: {  	[sflag:s0] =	ssyncadd.tile.s32 @!p0 $0x1;
	_ =	shalt  }
.Lfunc_end2:
_tile_overlayer_lowered:
.L_overlay_start_2:
0xc4: {  	(tag) =	ssettag $0x2  }
0xc5: {  	s0 =	rddreg [dreg:$0x0];
	s2 =	stileid.u32  }
0xc6: {  	s1 =	rddreg [dreg:$0x1];
	p0 =	sne.s32 s2, $0x0  }
0xc7: {  	s3 =	rddreg [dreg:$0x2];
	[bflag:$0x3] =	sbarrier.arrive $0xFFFF;
	s2 =	simm.s32 @!p0 $0x1C02  }
0xc8: {  	[timem:s3], [sflag:s2] =	dma.local @!p0 [hbm:s0], s1  }
0xc9: {  	s0 =	simm.s32 @!p0 $0x2  }
0xca: {  	_ =	swait.ge @!p0 [sflag:s0], s1  }
0xcb: {  	s1 =	ssub.s32 @!p0 $0x0, s1;
	[sflag:s0] =	ssyncset.done @!p0 $0x0  }
0xcc: {  	[sflag:s0] =	ssyncadd.s32 @!p0 s1  }
0xcd: {  	[bflag:$0x3] =	sbarrier.arrive $0xFFFF  }
0xce: {  	_ =	shalt  }

// kernel: kernel.7.cloned.1.call-start
scs
__scs_entry_jumppad:
0x0: {  	(pc) =	sbr.rel $0x88, $3  }
0x1: {  	(tag) =	ssettag $0x0;
	lr =	simm.s32 $0x1  }
0x2: {  	[smem:$0x3F9C] =	sst lr;
	_ =	strace $0xD0000000  }
0x3: {  	_ = 	snop  }
0x4: {  	_ = 	snop  }
0x5: {  	_ = 	snop  }
0x6: {  	_ = 	snop  }
0x7: {  	_ = 	snop  }
__scs_overlays_trampoline_lowered:
0x8: {  	[smem:$0x3FAB] =	sst s0  }
0x9: {  	[smem:$0x3FAC] =	sst s1  }
0xa: {  	[smem:$0x3FAD] =	sst s2  }
0xb: {  	[smem:$0x3FAE] =	sst s3  }
0xc: {  	[smem:$0x3FAF] =	sst s4  }
0xd: {  	[smem:$0x3FB0] =	sst s5  }
0xe: {  	[smem:$0x3FB1] =	sst s6  }
0xf: {  	[smem:$0x3FB2] =	sst s7  }
0x10: {  	[smem:$0x3FB3] =	sst s8  }
0x11: {  	[smem:$0x3FB4] =	sst s9;
	s0 =	simm.s32 @!p0 $0x0  }
0x12: {  	s1 =	sld [smem:$0x3F9A];
	s0 =	simm.s32 @p0 $0x1  }
0x13: {  	[smem:$0x3FB5] =	sst s0;
	s0 =	simm.s32 @!p1 $0x0  }
0x14: {  	s2 =	sld [smem:$0x3F99];
	s0 =	simm.s32 @p1 $0x1  }
0x15: {  	[smem:$0x3FB6] =	sst s0;
	s0 =	simm.s32 @!p2 $0x0  }
0x16: {  	s3 =	sld [smem:$0x3FDB];
	s0 =	simm.s32 @p2 $0x1  }
0x17: {  	s4 =	simm.s32 $0x1BF5;
	[smem:$0x3FB8] =	sst s0  }
0x18: {  	s0 =	sld [smem:$0x3F9B];
	_ =	swait.ge [sflag:s4], $0x0  }
0x19: {  	s7 =	sld [smem:$0x3F9C]  }
0x1a: {  	s8 =	sadd.s32 $0xFFFFE003, lr  }
0x1b: {  	s9 =	sadd.s32 $0xFFFFFEF7, lr;
	s5 =	simm.s32 $0xFFFFFFFF;
	p2 =	slt.u32 s8, $0xFFFFF086  }
0x1c: {  	p1 =	slt.u32 s9, $0xF7A;
	s5 =	simm.s32 @!p2 $0x0  }
0x1d: {  	s5 =	simm.s32 @p1 $0x1;
	p0 =	seq.s32 s7, s2  }
0x1e: {  	s7 =	smul.u32 @!p0 $0xF7A, s2;
	p2 =	seq.s32 @!p0 s5, $0x0  }
0x1f: {  	s9 =	smul.u32 $0xF7A, s1;
	s8 =	simm.s32 @!p0 $0x1BF5;
	p2 =	por !p2, p0  }
0x20: {  	[sflag:s8] =	ssyncset.s32 @!p0 $0xFFFFF086;
	s6 =	sadd.s32 @!p0 s3, s7;
	s7 =	simm.s32 @!p0 $0x108  }
0x21: {  	s3 =	sadd.s32 s3, s9;
	s6 =	sadd.s32 @!p0 $0x88, s6;
	s7 =	simm.s32 @p2 $0x1082  }
0x22: {  	[simem:s7], [sflag:s8] =	dma.local @!p0 [hbm:s6], $0xF7A  }
0x23: {  	s9 =	sor.u32 $0xD0000000, s2;
	s6 =	simm.s32 $0x108;
	_ =	swait.ge @!p0 [sflag:s8], $0x0  }
0x24: {  	s3 =	sadd.s32 $0x88, s3;
	s6 =	simm.s32 @!p1 $0x1082;
	[sflag:s4] =	ssyncset.s32 $0xFFFFF086  }
0x25: {  	[simem:s6], [sflag:s4] =	dma.local [hbm:s3], $0xF7A  }
0x26: {  	[smem:$0x3F9C] =	sst s1;
	(tag) =	ssettag s2;
	_ =	strace s9  }
0x27: {  	s1 =	sld [smem:$0x3FAC]  }
0x28: {  	s2 =	sld [smem:$0x3FAD]  }
0x29: {  	s4 =	sld [smem:$0x3FAF]  }
0x2a: {  	p0 =	seq.s32 s5, $0x0;
	s5 =	sld [smem:$0x3FB0]  }
0x2b: {  	s6 =	sld [smem:$0x3FB1]  }
0x2c: {  	s7 =	sld [smem:$0x3FB2]  }
0x2d: {  	s3 =	simm.s32 $0x108;
	s8 =	sld [smem:$0x3FB3]  }
0x2e: {  	s3 =	simm.s32 @!p0 $0x1082;
	s9 =	sld [smem:$0x3FB4]  }
0x2f: {  	lr =	sadd.s32 s0, s3;
	s0 =	sld [smem:$0x3FAB]  }
0x30: {  	s3 =	sld [smem:$0x3FAE]  }
0x31: {  	[smem:$0x3FB7] =	sst s10  }
0x32: {  	s10 =	sld [smem:$0x3FB5];
	_ =	sdelay $0x3  }
0x33: {  	p0 =	seq.s32 s10, $0x1;
	s10 =	sld [smem:$0x3FB7];
	_ =	sdelay $0x3  }
0x34: {  	[smem:$0x3FB7] =	sst s10  }
0x35: {  	s10 =	sld [smem:$0x3FB6];
	_ =	sdelay $0x3  }
0x36: {  	p1 =	seq.s32 s10, $0x1;
	s10 =	sld [smem:$0x3FB7];
	_ =	sdelay $0x3  }
0x37: {  	[smem:$0x3FB7] =	sst s10  }
0x38: {  	s10 =	sld [smem:$0x3FB8]  }
0x39: {  	_ = 	snop;
	(pc) =	sbr.ind lr, $3  }
0x3a: {  	_ = 	snop  }
0x3b: {  	_ = 	snop  }
0x3c: {  	p2 =	seq.s32 s10, $0x1;
	s10 =	sld [smem:$0x3FB7]  }
0x3d: {  	_ =	shalt  }
0x3e: {  	_ =	shalt  }
0x3f: {  	_ =	shalt  }
0x40: {  	_ =	shalt  }
0x41: {  	_ =	shalt  }
0x42: {  	_ =	shalt  }
0x43: {  	_ =	shalt  }
0x44: {  	_ =	shalt  }
0x45: {  	_ =	shalt  }
0x46: {  	_ =	shalt  }
0x47: {  	_ =	shalt  }
0x48: {  	_ =	shalt  }
0x49: {  	_ =	shalt  }
0x4a: {  	_ =	shalt  }
0x4b: {  	_ =	shalt  }
0x4c: {  	_ =	shalt  }
0x4d: {  	_ =	shalt  }
0x4e: {  	_ =	shalt  }
0x4f: {  	_ =	shalt  }
0x50: {  	_ =	shalt  }
0x51: {  	_ =	shalt  }
0x52: {  	_ =	shalt  }
0x53: {  	_ =	shalt  }
0x54: {  	_ =	shalt  }
0x55: {  	_ =	shalt  }
0x56: {  	_ =	shalt  }
0x57: {  	_ =	shalt  }
0x58: {  	_ =	shalt  }
0x59: {  	_ =	shalt  }
0x5a: {  	_ =	shalt  }
0x5b: {  	_ =	shalt  }
0x5c: {  	_ =	shalt  }
0x5d: {  	_ =	shalt  }
0x5e: {  	_ =	shalt  }
0x5f: {  	_ =	shalt  }
0x60: {  	_ =	shalt  }
0x61: {  	_ =	shalt  }
0x62: {  	_ =	shalt  }
0x63: {  	_ =	shalt  }
0x64: {  	_ =	shalt  }
0x65: {  	_ =	shalt  }
0x66: {  	_ =	shalt  }
0x67: {  	_ =	shalt  }
0x68: {  	_ =	shalt  }
0x69: {  	_ =	shalt  }
0x6a: {  	_ =	shalt  }
0x6b: {  	_ =	shalt  }
0x6c: {  	_ =	shalt  }
0x6d: {  	_ =	shalt  }
0x6e: {  	_ =	shalt  }
0x6f: {  	_ =	shalt  }
0x70: {  	_ =	shalt  }
0x71: {  	_ =	shalt  }
0x72: {  	_ =	shalt  }
0x73: {  	_ =	shalt  }
0x74: {  	_ =	shalt  }
0x75: {  	_ =	shalt  }
0x76: {  	_ =	shalt  }
0x77: {  	_ =	shalt  }
0x78: {  	_ =	shalt  }
0x79: {  	_ =	shalt  }
0x7a: {  	_ =	shalt  }
0x7b: {  	_ =	shalt  }
0x7c: {  	_ =	shalt  }
0x7d: {  	_ =	shalt  }
0x7e: {  	_ =	shalt  }
0x7f: {  	_ =	shalt  }
0x80: {  	_ =	shalt  }
0x81: {  	_ =	shalt  }
0x82: {  	_ =	shalt  }
0x83: {  	_ =	shalt  }
0x84: {  	_ =	shalt  }
0x85: {  	_ =	shalt  }
0x86: {  	_ =	shalt  }
0x87: {  	_ =	shalt  }
.Lfunc_end0:
.L_simem_size_0:
called_computation.1_lowered:
.L_overlay_start_0:
0x88: {  	s2 =	sld [smem:$0x3FD9]  }
0x89: {  	s3 =	sld [smem:$0x3FFE];
	_ =	sdelay $0x1  }
0x8a: {  	s1 =	srdreg.scid  }
0x8b: {  	s0 =	sand.u32 $0x1, s1  }
0x8c: {  	s17 =	sshll.u32 s0, $0xA;
	s2 =	sadd.s32 s3, s2  }
0x8d: {  	s2 =	sadd.s32 s2, s17  }
0x8e: {  	[smem:$0x3FC3] =	sst s2  }
0x8f: {  	_ = 	snop  }
0x90: {  	s2 =	sld [smem:$0x3FC9]  }
0x91: {  	s18 =	sld [smem:$0x3FD0];
	(tm) =	ssettm $0x1  }
0x92: {  	s4 =	sld [smem:$0x3FFB];
	_ =	sdelay $0x3  }
0x93: {  	_ =	strace s4  }
0x94: {  	s4 =	sld [smem:$0x3FFC];
	_ =	sdelay $0x3  }
0x95: {  	_ =	strace s4  }
0x96: {  	s4 =	sld [smem:$0x3FFD];
	_ =	sdelay $0x3  }
0x97: {  	_ =	strace s4  }
0x98: {  	_ =	strace $0x8FFFFFFF  }
0x99: {  	s19 =	sld [smem:$0x3FDB];
	_ =	sdelay $0x1  }
0x9a: {  	s5 =	simm.s32 $_scs_section_size  }
0x9b: {  	s6 =	simm.s32 $_size__tile_overlayer_lowered;
	s7 =	simm.s32 $_tile_overlayer_lowered  }
0x9c: {  	s22 =	simm.s32 $0x1BFF;
	s21 =	sshll.u32 s7, $0x1;
	s4 =	sadd.s32 s5, s19  }
0x9d: {  	s8 =	simm.s32 $0x0;
	s20 =	sshll.u32 s6, $0x1;
	s6 =	sadd.s32 s21, s4  }
0x9e: {  	[timem:s8], [sflag:s22] =	dma.local [hbm:s6], s20  }
0x9f: {  	_ =	swait.ge [sflag:s22], s20  }
0xa0: {  	s5 =	ssub.s32 $0x0, s20;
	[sflag:s22] =	ssyncset.done $0x0  }
0xa1: {  	[sflag:s22] =	ssyncadd.s32 s5;
	_ =	sdelay $0x1  }
0xa2: {  	s23 =	simm.s32 $0x1B8B  }
0xa3: {  	_ =	swait.ge [sflag:s23], $0x1  }
0xa4: {  	[sflag:s23] =	ssyncset.done $0x0  }
0xa5: {  	s25 =	simm.s32 $0x1B8E;
	s24 =	sld [smem:$0x3FFE];
	[sflag:s23] =	ssyncadd.s32 $0xFFFFFFFF  }
0xa6: {  	s26 =	simm.s32 $execute0_lowered;
	[smem:$0x3FD2] =	sst s25  }
0xa7: {  	s6 =	sshll.u32 s26, $0x1;
	_ =	strace $0x80000049;
	[dreg:$0x1] =	wrdreg $0xFFFFFFFF  }
0xa8: {  	s28 =	simm.s32 $_size_execute0_lowered;
	s4 =	sadd.s32 s4, s6;
	[dreg:$0x0] =	wrdreg $0x0  }
0xa9: {  	s6 =	sshll.u32 s28, $0x1;
	[dreg:$0x2] =	wrdreg s4  }
0xaa: {  	[dreg:$0x3] =	wrdreg s6  }
0xab: {  	[dreg:$0x4] =	wrdreg $0xC0  }
0xac: {  	_ =	task [dreg:s8], $0x5FFFF  }
0xad: {  	[dreg:$0x1] =	wrdreg $0xFFFFFFFF  }
0xae: {  	[dreg:$0x0] =	wrdreg $0x60  }
0xaf: {  	[dreg:$0x2] =	wrdreg s2  }
0xb0: {  	[dreg:$0x3] =	wrdreg s18  }
0xb1: {  	[dreg:$0x4] =	wrdreg s24  }
0xb2: {  	[dreg:$0x5] =	wrdreg $0x9  }
0xb3: {  	_ =	task.clear_ibuf [dreg:s8], $0x6FFFF;
	_ =	strace $0x90000049  }
0xb4: {  	s29 =	simm.s32 $0x9;
	_ =	strace $0x8000004B  }
0xb5: {  	_ =	swait.ge [sflag:s29], $0x1  }
0xb6: {  	[sflag:s29] =	ssyncadd.s32 $0xFFFFFFFF  }
0xb7: {  	_ =	strace $0x9000004B  }
0xb8: {  	_ =	sfence  }
0xb9: {  	s30 =	sld [smem:$0x0];
	_ =	sdelay $0x2  }
0xba: {  	s31 =	sshll.u32 s1, $0xD;
	s1 =	sshrl.u32 s1, $0x2  }
0xbb: {  	s3 =	sand.u32 $0x4000, s31;
	s1 =	sadd.s32 s1, s30  }
0xbc: {  	s0 =	sor.u32 s3, s0;
	s1 =	sshll.u32 s1, $0x11  }
0xbd: {  	s0 =	sor.u32 s1, s0  }
0xbe: {  	s0 =	sadd.s32 $0x8F2B, s0  }
0xbf: {  	[sflag:s0] =	ssyncadd.remote.s32 $0x1  }
0xc0: {  	_ =	sfence.sel $0xFFFF  }
0xc1: {  	[dreg:$0x0] =	wrdreg $0xFFFFFFFF;
	(pc) =	sbr.abs _section_cstart, $3  }
0xc2: {  	[dreg:$0x1] =	wrdreg $0xFFFFFFFF  }
0xc3: {  	_ =	task.clear_ibuf [dreg:s8], $0x2FFFF;
	_ =	strace $0x9FFFFFFF  }
0xc4: {  	(tm) =	ssettm $0x7FFFFFFF  }
0xc5: {  	_ =	shalt  }
tec
execute0_lowered:
.L_overlay_start_1:
0x0: {  	(tag) =	ssettag $0x1  }
0x1: {  	s0 =	srdreg.scid;
	s2 =	rddreg [dreg:$0x0]  }
0x2: {  	s6 =	stileid.u32;
	s4 =	rddreg [dreg:$0x1]  }
0x3: {  	s5 =	rddreg [dreg:$0x2];
	s23 =	simm.s32 $0x900;
	s24 =	simm.s32 $0x1100  }
0x4: {  	s25 =	simm.s32 $0x1900;
	s26 =	simm.s32 $0x2100;
	s8 =	simm.s32 $0x2  }
0x5: {  	s9 =	simm.s32 $0x100;
	s10 =	simm.s32 $0x2900;
	s11 =	simm.s32 $0x3100  }
0x6: {  	s12 =	simm.s32 $0x3900;
	s13 =	simm.s32 $0x4100;
	s14 =	simm.s32 $0x4900  }
0x7: {  	s15 =	simm.s32 $0x5100;
	s16 =	simm.s32 $0x5900;
	s17 =	simm.s32 $0x6100  }
0x8: {  	s18 =	simm.s32 $0x6900;
	s19 =	simm.s32 $0x7100;
	s20 =	simm.s32 $0x7900  }
0x9: {  	s28 =	simm.s32 $0xB100;
	s0 =	sand.u32 $0x1, s0;
	s1 =	smul.u32 $0x180, s6  }
0xa: {  	s29 =	simm.s32 $0xB900;
	s6 =	sshll.u32 s6, $0x1;
	s3 =	smul.u32 $0xC0, s0  }
0xb: {  	s30 =	simm.s32 $0x1;
	s31 =	simm.s32 $0x0;
	s6 =	sor.u32 s0, s6  }
0xc: {  	s0 =	ssub.s32 $0x2, s0;
	s1 =	sadd.s32 s3, s1;
	s3 =	simm.s32 $0x0  }
0xd: {  	s6 =	smul.u32 $0xC0, s6;
	s21 =	sshrl.u32 s0, $0x1;
	[smem:$0x7FF] =	sst s3  }
0xe: {  	s0 =	ssub.s32 s0, s21;
	_ =	strace $0x8000004A;
	[dreg:$0x5] =	wrdreg s23  }
0xf: {  	s21 =	simm.s32 $0x8100;
	s0 =	smax.u32 s0, $0x1;
	[dreg:$0x6] =	wrdreg s24  }
0x10: {  	s1 =	sshrl.u32 s1, $0x3;
	s22 =	sshrl.u32 s6, $0x3;
	[dreg:$0xa] =	wrdreg s0  }
0x11: {  	s6 =	sadd.s32 $0x200, s2;
	s1 =	smul.u32 $0x300, s1;
	[dreg:$0x7] =	wrdreg s25  }
0x12: {  	s4 =	sadd.s32 s4, s22;
	[dreg:$0x8] =	wrdreg s26;
	s22 =	simm.s32 $0x8900  }
0x13: {  	v2 =	vlaneseq.u32;
	s23 =	simm.s32 $0x9100;
	s24 =	simm.s32 $0x9900;
	s1 =	sadd.s32 s1, s5  }
0x14: {  	vm0 =	vmmov $0xffff;
	v1 =	vshrl.u32 v2, $0x3;
	s25 =	simm.s32 $0xA100;
	[dreg:$0x9] =	wrdreg s4;
	s1 =	sadd.s32 $0x400, s1  }
0x15: {  	v0 =	vand.u32 $0x7, v2;
	v2 =	vor.u32 $0x8, v2;
	v1 =	vmul.u32 $0x8, v1;
	s26 =	simm.s32 $0xA900;
	s5 =	sadd.s32 $0x100, s2;
	[dreg:$0x4] =	wrdreg s1  }
.LBB2_1:
0x16: {  	s0 =	rddreg [dreg:$0x9]  }
0x17: {  	[tilespmem:s3], [sflag:$0x2] =	stream.linear.gather [hbm4b:s0+s3], $0xC0, $0x38;
	[tilespmem:$0xC100] =	vst v63  }
0x18: {  	_ =	swait.ge [sflag:s8], $0xC0  }
0x19: {  	[sflag:s8] =	ssyncset.done $0x0  }
0x1a: {  	s1 =	simm.s32 $0x20;
	s0 =	simm.s32 $0x0;
	[sflag:s8] =	ssyncadd.s32 $0xFFFFFF40  }
.LBB2_2:
0x1b: {  	v3 =	vld [tilespmem:s1+$0xFFFFFFE0];
	_ =	sdelay $0x4  }
0x1c: {  	v4 =	vshrl.u32 v3, $0x3  }
0x1d: {  	v4 =	vmul.u32 $0x30, v4  }
0x1e: {  	v3 =	vand.u32 $0x7, v3  }
0x1f: {  	v3 =	vor.u32 v3, v4  }
0x20: {  	v4 =	vperm.xlane v3, v0;
	_ =	sdelay $0x1  }
0x21: {  	v4 =	vadd.s32 v1, v4;
	_ =	sdelay $0x3  }
0x22: {  	v3 =	vperm.xlane v3, v2  }
0x23: {  	[tilespmem:s9], [sflag:$0x1] =	stream.indirect_vreg.gather [hbm4b:s2+s3], $0x80, v4, vm0, $0xb8;
	[tilespmem:$0xC100] =	vst v63  }
0x24: {  	s4 =	rddreg [dreg:$0x5];
	v3 =	vadd.s32 v1, v3  }
0x25: {  	[tilespmem:s4], [sflag:$0x1] =	stream.indirect_vreg.gather [hbm4b:s5+s3], $0x80, v4, vm0, $0xb8;
	[tilespmem:$0xC100] =	vst v63  }
0x26: {  	s7 =	rddreg [dreg:$0x6]  }
0x27: {  	[tilespmem:s7], [sflag:$0x1] =	stream.indirect_vreg.gather [hbm4b:s6+s3], $0x80, v4, vm0, $0xb8;
	[tilespmem:$0xC100] =	vst v63  }
0x28: {  	s4 =	rddreg [dreg:$0x7]  }
0x29: {  	[tilespmem:s4], [sflag:$0x1] =	stream.indirect_vreg.gather [hbm4b:s2+s3], $0x80, v3, vm0, $0xb8;
	[tilespmem:$0xC100] =	vst v63  }
0x2a: {  	s7 =	rddreg [dreg:$0x8]  }
0x2b: {  	[tilespmem:s7], [sflag:$0x1] =	stream.indirect_vreg.gather [hbm4b:s5+s3], $0x80, v3, vm0, $0xb8;
	[tilespmem:$0xC100] =	vst v63  }
0x2c: {  	_ = 	snop  }
0x2d: {  	[tilespmem:s10], [sflag:$0x1] =	stream.indirect_vreg.gather [hbm4b:s6+s3], $0x80, v3, vm0, $0xb8;
	[tilespmem:$0xC100] =	vst v63  }
0x2e: {  	v3 =	vld [tilespmem:s1+$0xFFFFFFF0];
	_ =	sdelay $0x4  }
0x2f: {  	v61 =	vshrl.u32 v3, $0x3  }
0x30: {  	v4 =	vmul.u32 $0x30, v61  }
0x31: {  	v3 =	vand.u32 $0x7, v3  }
0x32: {  	v3 =	vor.u32 v3, v4  }
0x33: {  	v4 =	vperm.xlane v3, v0;
	_ =	sdelay $0x1  }
0x34: {  	v4 =	vadd.s32 v1, v4;
	_ =	sdelay $0x3  }
0x35: {  	v3 =	vperm.xlane v3, v2  }
0x36: {  	[tilespmem:s11], [sflag:$0x1] =	stream.indirect_vreg.gather [hbm4b:s2+s3], $0x80, v4, vm0, $0xb8;
	[tilespmem:$0xC100] =	vst v63  }
0x37: {  	v3 =	vadd.s32 v1, v3  }
0x38: {  	[tilespmem:s12], [sflag:$0x1] =	stream.indirect_vreg.gather [hbm4b:s5+s3], $0x80, v4, vm0, $0xb8;
	[tilespmem:$0xC100] =	vst v63  }
0x39: {  	_ = 	snop  }
0x3a: {  	[tilespmem:s13], [sflag:$0x1] =	stream.indirect_vreg.gather [hbm4b:s6+s3], $0x80, v4, vm0, $0xb8;
	[tilespmem:$0xC100] =	vst v63  }
0x3b: {  	_ = 	snop  }
0x3c: {  	[tilespmem:s14], [sflag:$0x1] =	stream.indirect_vreg.gather [hbm4b:s2+s3], $0x80, v3, vm0, $0xb8;
	[tilespmem:$0xC100] =	vst v63  }
0x3d: {  	_ = 	snop  }
0x3e: {  	[tilespmem:s15], [sflag:$0x1] =	stream.indirect_vreg.gather [hbm4b:s5+s3], $0x80, v3, vm0, $0xb8;
	[tilespmem:$0xC100] =	vst v63  }
0x3f: {  	_ = 	snop  }
0x40: {  	[tilespmem:s16], [sflag:$0x1] =	stream.indirect_vreg.gather [hbm4b:s6+s3], $0x80, v3, vm0, $0xb8;
	[tilespmem:$0xC100] =	vst v63  }
0x41: {  	v3 =	vld [tilespmem:s1+$0x0];
	_ =	sdelay $0x4  }
0x42: {  	v62 =	vshrl.u32 v3, $0x3  }
0x43: {  	v4 =	vmul.u32 $0x30, v62  }
0x44: {  	v3 =	vand.u32 $0x7, v3  }
0x45: {  	v3 =	vor.u32 v3, v4  }
0x46: {  	v4 =	vperm.xlane v3, v0;
	_ =	sdelay $0x1  }
0x47: {  	v4 =	vadd.s32 v1, v4;
	_ =	sdelay $0x3  }
0x48: {  	v3 =	vperm.xlane v3, v2  }
0x49: {  	[tilespmem:s17], [sflag:$0x1] =	stream.indirect_vreg.gather [hbm4b:s2+s3], $0x80, v4, vm0, $0xb8;
	[tilespmem:$0xC100] =	vst v63  }
0x4a: {  	v3 =	vadd.s32 v1, v3  }
0x4b: {  	[tilespmem:s18], [sflag:$0x1] =	stream.indirect_vreg.gather [hbm4b:s5+s3], $0x80, v4, vm0, $0xb8;
	[tilespmem:$0xC100] =	vst v63  }
0x4c: {  	_ = 	snop  }
0x4d: {  	[tilespmem:s19], [sflag:$0x1] =	stream.indirect_vreg.gather [hbm4b:s6+s3], $0x80, v4, vm0, $0xb8;
	[tilespmem:$0xC100] =	vst v63  }
0x4e: {  	_ = 	snop  }
0x4f: {  	[tilespmem:s20], [sflag:$0x1] =	stream.indirect_vreg.gather [hbm4b:s2+s3], $0x80, v3, vm0, $0xb8;
	[tilespmem:$0xC100] =	vst v63  }
0x50: {  	_ = 	snop  }
0x51: {  	[tilespmem:s21], [sflag:$0x1] =	stream.indirect_vreg.gather [hbm4b:s5+s3], $0x80, v3, vm0, $0xb8;
	[tilespmem:$0xC100] =	vst v63  }
0x52: {  	_ = 	snop  }
0x53: {  	[tilespmem:s22], [sflag:$0x1] =	stream.indirect_vreg.gather [hbm4b:s6+s3], $0x80, v3, vm0, $0xb8;
	[tilespmem:$0xC100] =	vst v63  }
0x54: {  	v3 =	vld [tilespmem:s1+$0x10];
	_ =	sdelay $0x4  }
0x55: {  	v63 =	vshrl.u32 v3, $0x3  }
0x56: {  	v4 =	vmul.u32 $0x30, v63  }
0x57: {  	v3 =	vand.u32 $0x7, v3  }
0x58: {  	v3 =	vor.u32 v3, v4  }
0x59: {  	v4 =	vperm.xlane v3, v0;
	_ =	sdelay $0x1  }
0x5a: {  	v4 =	vadd.s32 v1, v4;
	_ =	sdelay $0x3  }
0x5b: {  	v3 =	vperm.xlane v3, v2  }
0x5c: {  	[tilespmem:s23], [sflag:$0x1] =	stream.indirect_vreg.gather [hbm4b:s2+s3], $0x80, v4, vm0, $0xb8;
	[tilespmem:$0xC100] =	vst v63  }
0x5d: {  	v3 =	vadd.s32 v1, v3  }
0x5e: {  	[tilespmem:s24], [sflag:$0x1] =	stream.indirect_vreg.gather [hbm4b:s5+s3], $0x80, v4, vm0, $0xb8;
	[tilespmem:$0xC100] =	vst v63  }
0x5f: {  	_ = 	snop  }
0x60: {  	[tilespmem:s25], [sflag:$0x1] =	stream.indirect_vreg.gather [hbm4b:s6+s3], $0x80, v4, vm0, $0xb8;
	[tilespmem:$0xC100] =	vst v63  }
0x61: {  	_ = 	snop  }
0x62: {  	[tilespmem:s26], [sflag:$0x1] =	stream.indirect_vreg.gather [hbm4b:s2+s3], $0x80, v3, vm0, $0xb8;
	[tilespmem:$0xC100] =	vst v63  }
0x63: {  	_ = 	snop  }
0x64: {  	[tilespmem:s28], [sflag:$0x1] =	stream.indirect_vreg.gather [hbm4b:s5+s3], $0x80, v3, vm0, $0xb8;
	[tilespmem:$0xC100] =	vst v63  }
0x65: {  	_ = 	snop  }
0x66: {  	[tilespmem:s29], [sflag:$0x1] =	stream.indirect_vreg.gather [hbm4b:s6+s3], $0x80, v3, vm0, $0xb8;
	[tilespmem:$0xC100] =	vst v63  }
0x67: {  	_ =	swait.ge [sflag:s30], $0xC000  }
0x68: {  	p0 =	sne.s32 s0, $0x3000;
	s7 =	rddreg [dreg:$0x4];
	[sflag:s30] =	ssyncset.done $0x0  }
.Ltmp0:
0x69: {  	[sflag:s30] =	ssyncadd.s32 $0xFFFF4000;
	s4 =	sadd.s32 s0, s7;
	(pc) =	sbr.rel @p0 .LBB2_2-.Ltmp0, $4  }
0x6a: {  	[hbm4b:s4+s3] =	stream.linear.scatter [tilespmem:s9], [sflag:$0x2], $0xC000, $0x38;
	[tilespmem:$0xC100] =	vst v63  }
0x6b: {  	_ =	swait.ge [sflag:s8], $0xC000  }
0x6c: {  	[sflag:s8] =	ssyncset.done $0x0  }
0x6d: {  	s1 =	sadd.s32 $0x40, s1;
	s0 =	sadd.s32 $0x1800, s0;
	[sflag:s8] =	ssyncadd.s32 $0xFFFF4000  }
0x6e: {  	s31 =	sadd.s32 $0x1, s31;
	s0 =	rddreg [dreg:$0xa]  }
0x6f: {  	p0 =	sne.s32 s31, s0  }
.Ltmp1:
0x70: {  	_ = 	snop;
	(pc) =	sbr.rel @p0 .LBB2_1-.Ltmp1, $1  }
0x71: {  	_ =	sdelay $0x3  }
0x72: {  	_ =	sfence.sel $0x180000  }
0x73: {  	[bflag:$0x0] =	sbarrier.arrive $0xFFFF  }
0x74: {  	_ =	strace $0x9000004A  }
0x75: {  	s0 =	stileid.u32;
	[bflag:$0x2] =	sbarrier.arrive $0xFFFF  }
0x76: {  	p0 =	sne.s32 s0, $0x0;
	s0 =	rddreg [dreg:$0x3]  }
0x77: {  	s0 =	sadd.s32 @!p0 $0x100000, s0  }
0x78: {  	[sflag:s0] =	ssyncadd.tile.s32 @!p0 $0x1;
	_ =	shalt  }
.Lfunc_end2:
_tile_overlayer_lowered:
.L_overlay_start_2:
0x79: {  	(tag) =	ssettag $0x2  }
0x7a: {  	s0 =	rddreg [dreg:$0x0];
	s2 =	stileid.u32  }
0x7b: {  	s1 =	rddreg [dreg:$0x1];
	p0 =	sne.s32 s2, $0x0  }
0x7c: {  	s3 =	rddreg [dreg:$0x2];
	[bflag:$0x3] =	sbarrier.arrive $0xFFFF;
	s2 =	simm.s32 @!p0 $0x1C02  }
0x7d: {  	[timem:s3], [sflag:s2] =	dma.local @!p0 [hbm:s0], s1  }
0x7e: {  	s0 =	simm.s32 @!p0 $0x2  }
0x7f: {  	_ =	swait.ge @!p0 [sflag:s0], s1  }
0x80: {  	s1 =	ssub.s32 @!p0 $0x0, s1;
	[sflag:s0] =	ssyncset.done @!p0 $0x0  }
0x81: {  	[sflag:s0] =	ssyncadd.s32 @!p0 s1  }
0x82: {  	[bflag:$0x3] =	sbarrier.arrive $0xFFFF  }
0x83: {  	_ =	shalt  }

</sc_bundles>
